<compile_context>
chip_gen: v7x
topology: tpu7x:2x2x1
jax: 0.10.2.dev20260603
libtpu: 0.0.44.dev20260713+nightly
codegen_flags: <defaults>
</compile_context>

<pallas_src>
import functools

import jax
import jax.numpy as jnp
from jax import lax
from jax.experimental import pallas as pl
from jax.experimental.pallas import tpu as pltpu
from jax.experimental.pallas import tpu_sc as plsc

_B = 16
_N = 69905
_NC = 2
_NS = 16
_RPC = _B // _NC

_LN2 = 0.6931471805599453
_C0 = 0.00014151217537855532
_C1 = 0.9954273382579939
_C2 = -0.4640725804471406
_C3 = 0.21641043832783918
_C4 = -0.054862852862074235


def _vlog(s):
    bits = plsc.bitcast(s, jnp.int32)
    e = ((bits >> 23) - 127).astype(jnp.float32)
    u = plsc.bitcast((bits & 0x7FFFFF) | 0x3F800000, jnp.float32) - 1.0
    y = e * _LN2 + (_C0 + u * (_C1 + u * (_C2 + u * (_C3 + u * _C4))))
    y = y + s * jnp.exp(-y) - 1.0
    y = y + s * jnp.exp(-y) - 1.0
    return y


def _sc_body(scores_hbm, lse3_hbm, leaf_v, lse_v):
    c = lax.axis_index("c")
    s = lax.axis_index("s")
    r0 = _RPC * c
    iota = lax.iota(jnp.int32, 16)
    last = _NS - 1

    @pl.when(s < last)
    def _():
        pltpu.sync_copy(
            scores_hbm.at[pl.ds(r0, _RPC), pl.ds(4352 + 4096 * s, 4224)],
            leaf_v)

    @pl.when(s == last)
    def _():
        pltpu.sync_copy(
            scores_hbm.at[pl.ds(r0, _RPC), pl.ds(65792, 4096)],
            leaf_v.at[:, pl.ds(0, 4096)])

    rot = [16 * iota + ((iota + j) & 15) for j in range(16)]

    @plsc.parallel_loop(0, _RPC * 16, unroll=2)
    def _(i):
        r = i >> 4
        t = i & 15
        rr = jnp.full((16,), r, dtype=jnp.int32)
        base = 17 + 256 * t
        loads = [plsc.load_gather(leaf_v, [rr, base + rot[j]])
                 for j in range(16)]
        ms = loads
        while len(ms) > 1:
            ms = [jnp.maximum(ms[k], ms[k + 1]) for k in range(0, len(ms), 2)]
        m = ms[0]
        es = [jnp.exp(v - m) for v in loads]
        while len(es) > 1:
            es = [es[k] + es[k + 1] for k in range(0, len(es), 2)]
        plsc.store_scatter(lse_v, [rr, 16 * t + iota], m + _vlog(es[0]))

    pltpu.sync_copy(lse_v, lse3_hbm.at[pl.ds(r0, _RPC), pl.ds(256 * s, 256)])


def _copy_body(x_ref, o_ref):
    o_ref[...] = x_ref[...]


def _group_lse(x):
    b, n16 = x.shape
    n = n16 // 16
    m = jnp.max(x, axis=-1, keepdims=True)
    x3 = (x - m).reshape(b, n, 16)
    return m + jnp.log(jnp.sum(jnp.exp(x3), axis=-1))


def _top_body(prev_ref, t_ref, tail_ref, l3_ref, out_ref):
    del prev_ref
    t = t_ref[...]
    lse_tail = _group_lse(tail_ref[:, 241:273])
    l3 = jnp.concatenate([l3_ref[:, :4094], lse_tail], axis=1)
    p3 = jnp.maximum(t[:, 273:4369], l3)
    p2 = jnp.maximum(t[:, 17:273], _group_lse(p3))
    p1 = jnp.maximum(t[:, 1:17], _group_lse(p2))
    p0 = jnp.maximum(t[:, 0:1], _group_lse(p1))
    out_ref[...] = jnp.concatenate([p0, p1, p2, p3, t[:, 4369:4480]], axis=1)


def kernel(scores, parents, flat_inputs_index, concat_children):
    del parents, flat_inputs_index, concat_children
    mesh = plsc.VectorSubcoreMesh(core_axis_name="c", subcore_axis_name="s")
    sc_run = functools.partial(
        pl.kernel,
        mesh=mesh,
        compiler_params=pltpu.CompilerParams(
            use_tc_tiling_on_sc=False, needs_layout_passes=False),
        out_type=jax.ShapeDtypeStruct((_B, 4096), jnp.float32),
        scratch_types=[
            pltpu.VMEM((_RPC, 4224), jnp.float32),
            pltpu.VMEM((_RPC, 256), jnp.float32),
        ],
    )(_sc_body)
    lse3 = sc_run(scores)

    copied = pl.pallas_call(
        _copy_body,
        grid=(18,),
        in_specs=[pl.BlockSpec((_B, 4096), lambda i: (0, i))],
        out_specs=pl.BlockSpec((_B, 4096), lambda i: (0, i)),
        out_shape=jax.ShapeDtypeStruct((_B, _N), jnp.float32),
    )(scores)

    return pl.pallas_call(
        _top_body,
        grid=(1,),
        in_specs=[
            pl.BlockSpec(memory_space=pl.ANY),
            pl.BlockSpec((_B, 4480), lambda i: (0, 0)),
            pl.BlockSpec((_B, 512), lambda i: (0, 136)),
            pl.BlockSpec((_B, 4096), lambda i: (0, 0)),
        ],
        out_specs=pl.BlockSpec((_B, 4480), lambda i: (0, 0)),
        out_shape=jax.ShapeDtypeStruct((_B, _N), jnp.float32),
        input_output_aliases={0: 0},
    )(copied, scores, scores, lse3)

# --- scband reference (transcript-rebuilt; emitter-appended) ---
"""Pipeline reference for scband-max-cut-log-sum-exp-3702261809399 (READ-ONLY COPY).

The authoritative reference and input builder live on the scoring server;
editing this copy changes nothing except your own understanding.
"""

import jax, jax.numpy as jnp
import numpy as np
from jax.scipy.special import logsumexp

B_FACTOR = 16
NUM_LEVELS = 4
BATCH = 16
NUM_NODES = sum(B_FACTOR ** d for d in range(NUM_LEVELS + 1))  # 69905


def _build_tree():
    # Balanced tree, BFS node numbering. Level d starts at offs[d].
    offs = np.cumsum([0] + [B_FACTOR ** d for d in range(NUM_LEVELS + 1)])
    parents = []
    flat_inputs_index = []
    concat_children = []
    for d in range(NUM_LEVELS):
        n_par = B_FACTOR ** d
        parents.append(jnp.asarray(offs[d] + np.arange(n_par), dtype=jnp.int32))
        # ragged_to_sparse_index with uniform row length B_FACTOR: i*max_nc + j
        i = np.repeat(np.arange(n_par), B_FACTOR)
        j = np.tile(np.arange(B_FACTOR), n_par)
        flat_inputs_index.append(jnp.asarray(i * B_FACTOR + j, dtype=jnp.int32))
        concat_children.append(jnp.asarray(offs[d + 1] + np.arange(n_par * B_FACTOR), dtype=jnp.int32))
    return parents, flat_inputs_index, concat_children


def setup_inputs(seed: int = 0) -> dict:
    key = jax.random.key(seed)
    scores = jax.random.normal(key, (BATCH, NUM_NODES), dtype=jnp.float32)
    parents, flat_inputs_index, concat_children = _build_tree()
    return {
        "scores": scores,
        "parents": parents,
        "flat_inputs_index": flat_inputs_index,
        "concat_children": concat_children,
    }


def reference(scores, parents, flat_inputs_index, concat_children):
    # Faithful translation of MaxCutLogSumExp.forward with max_reduction='max'.
    num_levels = len(parents)
    batch_dims = scores.shape[:-1]
    out = scores
    for d in reversed(range(num_levels)):
        n_par = parents[d].shape[0]
        mc = B_FACTOR  # max_num_children at this level
        flat = jnp.full(batch_dims + (n_par * mc,), -jnp.inf, dtype=scores.dtype)
        # index_copy(-1, flat_inputs_index, gathered children) -> scatter-set
        flat = flat.at[..., flat_inputs_index[d]].set(out[..., concat_children[d]])
        inputs = flat.reshape(batch_dims + (n_par, mc))
        lse = logsumexp(inputs, axis=-1)
        # max_reduce_fn = torch.maximum; index_copy on parents
        out = out.at[..., parents[d]].set(jnp.maximum(out[..., parents[d]], lse))
    return out

if __name__ == "__main__":
    import jax
    _d = setup_inputs()
    print(jax.jit(kernel)(*tuple(_d.values())))

</pallas_src>

<mosaic_0001>
#map = affine_map<(d0, d1) -> (0, 0)>
module attributes {stable_mosaic.version = 14 : i64} {
  func.func @_sc_body(%arg0: i32, %arg1: i32, %arg2: memref<16x69905xf32, #tpu.memory_space<hbm>>, %arg3: memref<16x4096xf32, #tpu.memory_space<hbm>>, %arg4: memref<8x4224xf32, #tpu.memory_space<vmem>>, %arg5: memref<8x256xf32, #tpu.memory_space<vmem>>) attributes {dimension_semantics = [#tpu.dimension_semantics<core_parallel>, #tpu.dimension_semantics<subcore_parallel>], iteration_bounds = array<i64: 2, 16>, scalar_prefetch = 0 : i64, scratch_operands = 2 : i64, tpu.core_type = #tpu.core_type<sc_vector_subcore>, window_params = [{transform_indices = #map}, {transform_indices = #map}]} {
    %mul3A = arith.constant 8 : i32
    %mul3A_0 = arith.muli %mul3A, %arg0 : i32
    %iota3A = tpu.iota {dimensions = array<i32: 0>} : vector<16xi32>
    %lt3A = arith.constant 15 : i32
    %lt3A_1 = arith.cmpi slt, %arg1, %lt3A : i32
    %convert_element_type3A = arith.extui %lt3A_1 : i1 to i32
    %cond3A = arith.constant 0 : i32
    %cond3A_2 = arith.cmpi ne, %convert_element_type3A, %cond3A : i32
    scf.if %cond3A_2 {
      %mul3A_169 = arith.constant 4096 : i32
      %mul3A_170 = arith.muli %mul3A_169, %arg1 : i32
      %add3A_171 = arith.constant 4352 : i32
      %add3A_172 = arith.addi %add3A_171, %mul3A_170 : i32
      "tpu.region"() ({
        %run_scoped3A = tpu.sem_alloc : memref<!tpu.dma_semaphore, #tpu.memory_space<semaphore_mem>>
        %dma_start3A = tpu.memref_slice %arg2[%mul3A_0, %add3A_172] : memref<16x69905xf32, #tpu.memory_space<hbm>> -> memref<8x4224xf32, #tpu.memory_space<hbm>>
        %dma_start3A_173 = tpu.memref_slice %arg2[%mul3A_0, %add3A_172] : memref<16x69905xf32, #tpu.memory_space<hbm>> -> memref<8x4224xf32, #tpu.memory_space<hbm>>
        tpu.enqueue_dma source(%dma_start3A_173 : memref<8x4224xf32, #tpu.memory_space<hbm>>) target(%arg4 : memref<8x4224xf32, #tpu.memory_space<vmem>>) target_semaphore(%run_scoped3A : memref<!tpu.dma_semaphore, #tpu.memory_space<semaphore_mem>>)
        %dma_wait3A = tpu.memref_slice %arg2[%mul3A_0, %add3A_172] : memref<16x69905xf32, #tpu.memory_space<hbm>> -> memref<8x4224xf32, #tpu.memory_space<hbm>>
        %dma_wait3A_174 = tpu.memref_slice %arg2[%mul3A_0, %add3A_172] : memref<16x69905xf32, #tpu.memory_space<hbm>> -> memref<8x4224xf32, #tpu.memory_space<hbm>>
        tpu.wait_dma2 semaphore(%run_scoped3A : memref<!tpu.dma_semaphore, #tpu.memory_space<semaphore_mem>>) src(%dma_wait3A_174 : memref<8x4224xf32, #tpu.memory_space<hbm>>) dst(%arg4 : memref<8x4224xf32, #tpu.memory_space<vmem>>)
        tpu.yield
      }) : () -> ()
    } else {
    }
    %eq3A = arith.constant 15 : i32
    %eq3A_3 = arith.cmpi eq, %arg1, %eq3A : i32
    %convert_element_type3A_4 = arith.extui %eq3A_3 : i1 to i32
    %cond3A_5 = arith.constant 0 : i32
    %cond3A_6 = arith.cmpi ne, %convert_element_type3A_4, %cond3A_5 : i32
    scf.if %cond3A_6 {
      "tpu.region"() ({
        %run_scoped3A = tpu.sem_alloc : memref<!tpu.dma_semaphore, #tpu.memory_space<semaphore_mem>>
        %dma_start3A = arith.constant 0 : i32
        %dma_start3A_169 = arith.constant 0 : i32
        %dma_start3A_170 = tpu.memref_slice %arg4[%dma_start3A, %dma_start3A_169] : memref<8x4224xf32, #tpu.memory_space<vmem>> -> memref<8x4096xf32, #tpu.memory_space<vmem>>
        %dma_start3A_171 = arith.constant 65792 : i32
        %dma_start3A_172 = tpu.memref_slice %arg2[%mul3A_0, %dma_start3A_171] : memref<16x69905xf32, #tpu.memory_space<hbm>> -> memref<8x4096xf32, #tpu.memory_space<hbm>>
        %dma_start3A_173 = arith.constant 0 : i32
        %dma_start3A_174 = arith.constant 0 : i32
        %dma_start3A_175 = tpu.memref_slice %arg4[%dma_start3A_173, %dma_start3A_174] : memref<8x4224xf32, #tpu.memory_space<vmem>> -> memref<8x4096xf32, #tpu.memory_space<vmem>>
        %dma_start3A_176 = arith.constant 65792 : i32
        %dma_start3A_177 = tpu.memref_slice %arg2[%mul3A_0, %dma_start3A_176] : memref<16x69905xf32, #tpu.memory_space<hbm>> -> memref<8x4096xf32, #tpu.memory_space<hbm>>
        tpu.enqueue_dma source(%dma_start3A_177 : memref<8x4096xf32, #tpu.memory_space<hbm>>) target(%dma_start3A_175 : memref<8x4096xf32, #tpu.memory_space<vmem>>) target_semaphore(%run_scoped3A : memref<!tpu.dma_semaphore, #tpu.memory_space<semaphore_mem>>)
        %dma_wait3A = arith.constant 0 : i32
        %dma_wait3A_178 = arith.constant 0 : i32
        %dma_wait3A_179 = tpu.memref_slice %arg4[%dma_wait3A, %dma_wait3A_178] : memref<8x4224xf32, #tpu.memory_space<vmem>> -> memref<8x4096xf32, #tpu.memory_space<vmem>>
        %dma_wait3A_180 = arith.constant 65792 : i32
        %dma_wait3A_181 = tpu.memref_slice %arg2[%mul3A_0, %dma_wait3A_180] : memref<16x69905xf32, #tpu.memory_space<hbm>> -> memref<8x4096xf32, #tpu.memory_space<hbm>>
        %dma_wait3A_182 = arith.constant 0 : i32
        %dma_wait3A_183 = arith.constant 0 : i32
        %dma_wait3A_184 = tpu.memref_slice %arg4[%dma_wait3A_182, %dma_wait3A_183] : memref<8x4224xf32, #tpu.memory_space<vmem>> -> memref<8x4096xf32, #tpu.memory_space<vmem>>
        %dma_wait3A_185 = arith.constant 65792 : i32
        %dma_wait3A_186 = tpu.memref_slice %arg2[%mul3A_0, %dma_wait3A_185] : memref<16x69905xf32, #tpu.memory_space<hbm>> -> memref<8x4096xf32, #tpu.memory_space<hbm>>
        tpu.wait_dma2 semaphore(%run_scoped3A : memref<!tpu.dma_semaphore, #tpu.memory_space<semaphore_mem>>) src(%dma_wait3A_186 : memref<8x4096xf32, #tpu.memory_space<hbm>>) dst(%dma_wait3A_184 : memref<8x4096xf32, #tpu.memory_space<vmem>>)
        tpu.yield
      }) : () -> ()
    } else {
    }
    %mul3A_7 = arith.constant 16 : i32
    %mul3A_8 = vector.broadcast %mul3A_7 : i32 to vector<16xi32>
    %mul3A_9 = arith.muli %mul3A_8, %iota3A : vector<16xi32>
    %add3A = arith.constant 0 : i32
    %add3A_10 = vector.broadcast %add3A : i32 to vector<16xi32>
    %add3A_11 = arith.addi %iota3A, %add3A_10 : vector<16xi32>
    %and3A = arith.constant 15 : i32
    %and3A_12 = vector.broadcast %and3A : i32 to vector<16xi32>
    %and3A_13 = arith.andi %add3A_11, %and3A_12 : vector<16xi32>
    %add3A_14 = arith.addi %mul3A_9, %and3A_13 : vector<16xi32>
    %mul3A_15 = arith.constant 16 : i32
    %mul3A_16 = vector.broadcast %mul3A_15 : i32 to vector<16xi32>
    %mul3A_17 = arith.muli %mul3A_16, %iota3A : vector<16xi32>
    %add3A_18 = arith.constant 1 : i32
    %add3A_19 = vector.broadcast %add3A_18 : i32 to vector<16xi32>
    %add3A_20 = arith.addi %iota3A, %add3A_19 : vector<16xi32>
    %and3A_21 = arith.constant 15 : i32
    %and3A_22 = vector.broadcast %and3A_21 : i32 to vector<16xi32>
    %and3A_23 = arith.andi %add3A_20, %and3A_22 : vector<16xi32>
    %add3A_24 = arith.addi %mul3A_17, %and3A_23 : vector<16xi32>
    %mul3A_25 = arith.constant 16 : i32
    %mul3A_26 = vector.broadcast %mul3A_25 : i32 to vector<16xi32>
    %mul3A_27 = arith.muli %mul3A_26, %iota3A : vector<16xi32>
    %add3A_28 = arith.constant 2 : i32
    %add3A_29 = vector.broadcast %add3A_28 : i32 to vector<16xi32>
    %add3A_30 = arith.addi %iota3A, %add3A_29 : vector<16xi32>
    %and3A_31 = arith.constant 15 : i32
    %and3A_32 = vector.broadcast %and3A_31 : i32 to vector<16xi32>
    %and3A_33 = arith.andi %add3A_30, %and3A_32 : vector<16xi32>
    %add3A_34 = arith.addi %mul3A_27, %and3A_33 : vector<16xi32>
    %mul3A_35 = arith.constant 16 : i32
    %mul3A_36 = vector.broadcast %mul3A_35 : i32 to vector<16xi32>
    %mul3A_37 = arith.muli %mul3A_36, %iota3A : vector<16xi32>
    %add3A_38 = arith.constant 3 : i32
    %add3A_39 = vector.broadcast %add3A_38 : i32 to vector<16xi32>
    %add3A_40 = arith.addi %iota3A, %add3A_39 : vector<16xi32>
    %and3A_41 = arith.constant 15 : i32
    %and3A_42 = vector.broadcast %and3A_41 : i32 to vector<16xi32>
    %and3A_43 = arith.andi %add3A_40, %and3A_42 : vector<16xi32>
    %add3A_44 = arith.addi %mul3A_37, %and3A_43 : vector<16xi32>
    %mul3A_45 = arith.constant 16 : i32
    %mul3A_46 = vector.broadcast %mul3A_45 : i32 to vector<16xi32>
    %mul3A_47 = arith.muli %mul3A_46, %iota3A : vector<16xi32>
    %add3A_48 = arith.constant 4 : i32
    %add3A_49 = vector.broadcast %add3A_48 : i32 to vector<16xi32>
    %add3A_50 = arith.addi %iota3A, %add3A_49 : vector<16xi32>
    %and3A_51 = arith.constant 15 : i32
    %and3A_52 = vector.broadcast %and3A_51 : i32 to vector<16xi32>
    %and3A_53 = arith.andi %add3A_50, %and3A_52 : vector<16xi32>
    %add3A_54 = arith.addi %mul3A_47, %and3A_53 : vector<16xi32>
    %mul3A_55 = arith.constant 16 : i32
    %mul3A_56 = vector.broadcast %mul3A_55 : i32 to vector<16xi32>
    %mul3A_57 = arith.muli %mul3A_56, %iota3A : vector<16xi32>
    %add3A_58 = arith.constant 5 : i32
    %add3A_59 = vector.broadcast %add3A_58 : i32 to vector<16xi32>
    %add3A_60 = arith.addi %iota3A, %add3A_59 : vector<16xi32>
    %and3A_61 = arith.constant 15 : i32
    %and3A_62 = vector.broadcast %and3A_61 : i32 to vector<16xi32>
    %and3A_63 = arith.andi %add3A_60, %and3A_62 : vector<16xi32>
    %add3A_64 = arith.addi %mul3A_57, %and3A_63 : vector<16xi32>
    %mul3A_65 = arith.constant 16 : i32
    %mul3A_66 = vector.broadcast %mul3A_65 : i32 to vector<16xi32>
    %mul3A_67 = arith.muli %mul3A_66, %iota3A : vector<16xi32>
    %add3A_68 = arith.constant 6 : i32
    %add3A_69 = vector.broadcast %add3A_68 : i32 to vector<16xi32>
    %add3A_70 = arith.addi %iota3A, %add3A_69 : vector<16xi32>
    %and3A_71 = arith.constant 15 : i32
    %and3A_72 = vector.broadcast %and3A_71 : i32 to vector<16xi32>
    %and3A_73 = arith.andi %add3A_70, %and3A_72 : vector<16xi32>
    %add3A_74 = arith.addi %mul3A_67, %and3A_73 : vector<16xi32>
    %mul3A_75 = arith.constant 16 : i32
    %mul3A_76 = vector.broadcast %mul3A_75 : i32 to vector<16xi32>
    %mul3A_77 = arith.muli %mul3A_76, %iota3A : vector<16xi32>
    %add3A_78 = arith.constant 7 : i32
    %add3A_79 = vector.broadcast %add3A_78 : i32 to vector<16xi32>
    %add3A_80 = arith.addi %iota3A, %add3A_79 : vector<16xi32>
    %and3A_81 = arith.constant 15 : i32
    %and3A_82 = vector.broadcast %and3A_81 : i32 to vector<16xi32>
    %and3A_83 = arith.andi %add3A_80, %and3A_82 : vector<16xi32>
    %add3A_84 = arith.addi %mul3A_77, %and3A_83 : vector<16xi32>
    %mul3A_85 = arith.constant 16 : i32
    %mul3A_86 = vector.broadcast %mul3A_85 : i32 to vector<16xi32>
    %mul3A_87 = arith.muli %mul3A_86, %iota3A : vector<16xi32>
    %add3A_88 = arith.constant 8 : i32
    %add3A_89 = vector.broadcast %add3A_88 : i32 to vector<16xi32>
    %add3A_90 = arith.addi %iota3A, %add3A_89 : vector<16xi32>
    %and3A_91 = arith.constant 15 : i32
    %and3A_92 = vector.broadcast %and3A_91 : i32 to vector<16xi32>
    %and3A_93 = arith.andi %add3A_90, %and3A_92 : vector<16xi32>
    %add3A_94 = arith.addi %mul3A_87, %and3A_93 : vector<16xi32>
    %mul3A_95 = arith.constant 16 : i32
    %mul3A_96 = vector.broadcast %mul3A_95 : i32 to vector<16xi32>
    %mul3A_97 = arith.muli %mul3A_96, %iota3A : vector<16xi32>
    %add3A_98 = arith.constant 9 : i32
    %add3A_99 = vector.broadcast %add3A_98 : i32 to vector<16xi32>
    %add3A_100 = arith.addi %iota3A, %add3A_99 : vector<16xi32>
    %and3A_101 = arith.constant 15 : i32
    %and3A_102 = vector.broadcast %and3A_101 : i32 to vector<16xi32>
    %and3A_103 = arith.andi %add3A_100, %and3A_102 : vector<16xi32>
    %add3A_104 = arith.addi %mul3A_97, %and3A_103 : vector<16xi32>
    %mul3A_105 = arith.constant 16 : i32
    %mul3A_106 = vector.broadcast %mul3A_105 : i32 to vector<16xi32>
    %mul3A_107 = arith.muli %mul3A_106, %iota3A : vector<16xi32>
    %add3A_108 = arith.constant 10 : i32
    %add3A_109 = vector.broadcast %add3A_108 : i32 to vector<16xi32>
    %add3A_110 = arith.addi %iota3A, %add3A_109 : vector<16xi32>
    %and3A_111 = arith.constant 15 : i32
    %and3A_112 = vector.broadcast %and3A_111 : i32 to vector<16xi32>
    %and3A_113 = arith.andi %add3A_110, %and3A_112 : vector<16xi32>
    %add3A_114 = arith.addi %mul3A_107, %and3A_113 : vector<16xi32>
    %mul3A_115 = arith.constant 16 : i32
    %mul3A_116 = vector.broadcast %mul3A_115 : i32 to vector<16xi32>
    %mul3A_117 = arith.muli %mul3A_116, %iota3A : vector<16xi32>
    %add3A_118 = arith.constant 11 : i32
    %add3A_119 = vector.broadcast %add3A_118 : i32 to vector<16xi32>
    %add3A_120 = arith.addi %iota3A, %add3A_119 : vector<16xi32>
    %and3A_121 = arith.constant 15 : i32
    %and3A_122 = vector.broadcast %and3A_121 : i32 to vector<16xi32>
    %and3A_123 = arith.andi %add3A_120, %and3A_122 : vector<16xi32>
    %add3A_124 = arith.addi %mul3A_117, %and3A_123 : vector<16xi32>
    %mul3A_125 = arith.constant 16 : i32
    %mul3A_126 = vector.broadcast %mul3A_125 : i32 to vector<16xi32>
    %mul3A_127 = arith.muli %mul3A_126, %iota3A : vector<16xi32>
    %add3A_128 = arith.constant 12 : i32
    %add3A_129 = vector.broadcast %add3A_128 : i32 to vector<16xi32>
    %add3A_130 = arith.addi %iota3A, %add3A_129 : vector<16xi32>
    %and3A_131 = arith.constant 15 : i32
    %and3A_132 = vector.broadcast %and3A_131 : i32 to vector<16xi32>
    %and3A_133 = arith.andi %add3A_130, %and3A_132 : vector<16xi32>
    %add3A_134 = arith.addi %mul3A_127, %and3A_133 : vector<16xi32>
    %mul3A_135 = arith.constant 16 : i32
    %mul3A_136 = vector.broadcast %mul3A_135 : i32 to vector<16xi32>
    %mul3A_137 = arith.muli %mul3A_136, %iota3A : vector<16xi32>
    %add3A_138 = arith.constant 13 : i32
    %add3A_139 = vector.broadcast %add3A_138 : i32 to vector<16xi32>
    %add3A_140 = arith.addi %iota3A, %add3A_139 : vector<16xi32>
    %and3A_141 = arith.constant 15 : i32
    %and3A_142 = vector.broadcast %and3A_141 : i32 to vector<16xi32>
    %and3A_143 = arith.andi %add3A_140, %and3A_142 : vector<16xi32>
    %add3A_144 = arith.addi %mul3A_137, %and3A_143 : vector<16xi32>
    %mul3A_145 = arith.constant 16 : i32
    %mul3A_146 = vector.broadcast %mul3A_145 : i32 to vector<16xi32>
    %mul3A_147 = arith.muli %mul3A_146, %iota3A : vector<16xi32>
    %add3A_148 = arith.constant 14 : i32
    %add3A_149 = vector.broadcast %add3A_148 : i32 to vector<16xi32>
    %add3A_150 = arith.addi %iota3A, %add3A_149 : vector<16xi32>
    %and3A_151 = arith.constant 15 : i32
    %and3A_152 = vector.broadcast %and3A_151 : i32 to vector<16xi32>
    %and3A_153 = arith.andi %add3A_150, %and3A_152 : vector<16xi32>
    %add3A_154 = arith.addi %mul3A_147, %and3A_153 : vector<16xi32>
    %mul3A_155 = arith.constant 16 : i32
    %mul3A_156 = vector.broadcast %mul3A_155 : i32 to vector<16xi32>
    %mul3A_157 = arith.muli %mul3A_156, %iota3A : vector<16xi32>
    %add3A_158 = arith.constant 15 : i32
    %add3A_159 = vector.broadcast %add3A_158 : i32 to vector<16xi32>
    %add3A_160 = arith.addi %iota3A, %add3A_159 : vector<16xi32>
    %and3A_161 = arith.constant 15 : i32
    %and3A_162 = vector.broadcast %and3A_161 : i32 to vector<16xi32>
    %and3A_163 = arith.andi %add3A_160, %and3A_162 : vector<16xi32>
    %add3A_164 = arith.addi %mul3A_157, %and3A_163 : vector<16xi32>
    %parallel_loop3A = arith.constant 0 : i32
    %parallel_loop3A_165 = arith.constant 128 : i32
    %parallel_loop3A_166 = arith.constant 1 : i32
    scf.for %parallel_loop3A_169 = %parallel_loop3A to %parallel_loop3A_165 step %parallel_loop3A_166  : i32 {
      %parallel_loop3A_170 = arith.constant 4 : i32
      %parallel_loop3A_171 = arith.shrsi %parallel_loop3A_169, %parallel_loop3A_170 : i32
      %parallel_loop3A_172 = arith.constant 15 : i32
      %parallel_loop3A_173 = arith.andi %parallel_loop3A_169, %parallel_loop3A_172 : i32
      %parallel_loop3A_174 = vector.broadcast %parallel_loop3A_171 : i32 to vector<16xi32>
      %parallel_loop3A_175 = arith.constant 256 : i32
      %parallel_loop3A_176 = arith.muli %parallel_loop3A_175, %parallel_loop3A_173 : i32
      %parallel_loop3A_177 = arith.constant 17 : i32
      %parallel_loop3A_178 = arith.addi %parallel_loop3A_177, %parallel_loop3A_176 : i32
      %parallel_loop3A_179 = vector.broadcast %parallel_loop3A_178 : i32 to vector<16xi32>
      %parallel_loop3A_180 = arith.addi %parallel_loop3A_179, %add3A_14 : vector<16xi32>
      %parallel_loop3A_181 = tpu.vector_load_idx %arg4[%parallel_loop3A_174, %parallel_loop3A_180] : memref<8x4224xf32, #tpu.memory_space<vmem>>[vector<16xi32>, vector<16xi32>], vector<16xf32>,
      %parallel_loop3A_182 = vector.broadcast %parallel_loop3A_178 : i32 to vector<16xi32>
      %parallel_loop3A_183 = arith.addi %parallel_loop3A_182, %add3A_24 : vector<16xi32>
      %parallel_loop3A_184 = tpu.vector_load_idx %arg4[%parallel_loop3A_174, %parallel_loop3A_183] : memref<8x4224xf32, #tpu.memory_space<vmem>>[vector<16xi32>, vector<16xi32>], vector<16xf32>,
      %parallel_loop3A_185 = vector.broadcast %parallel_loop3A_178 : i32 to vector<16xi32>
      %parallel_loop3A_186 = arith.addi %parallel_loop3A_185, %add3A_34 : vector<16xi32>
      %parallel_loop3A_187 = tpu.vector_load_idx %arg4[%parallel_loop3A_174, %parallel_loop3A_186] : memref<8x4224xf32, #tpu.memory_space<vmem>>[vector<16xi32>, vector<16xi32>], vector<16xf32>,
      %parallel_loop3A_188 = vector.broadcast %parallel_loop3A_178 : i32 to vector<16xi32>
      %parallel_loop3A_189 = arith.addi %parallel_loop3A_188, %add3A_44 : vector<16xi32>
      %parallel_loop3A_190 = tpu.vector_load_idx %arg4[%parallel_loop3A_174, %parallel_loop3A_189] : memref<8x4224xf32, #tpu.memory_space<vmem>>[vector<16xi32>, vector<16xi32>], vector<16xf32>,
      %parallel_loop3A_191 = vector.broadcast %parallel_loop3A_178 : i32 to vector<16xi32>
      %parallel_loop3A_192 = arith.addi %parallel_loop3A_191, %add3A_54 : vector<16xi32>
      %parallel_loop3A_193 = tpu.vector_load_idx %arg4[%parallel_loop3A_174, %parallel_loop3A_192] : memref<8x4224xf32, #tpu.memory_space<vmem>>[vector<16xi32>, vector<16xi32>], vector<16xf32>,
      %parallel_loop3A_194 = vector.broadcast %parallel_loop3A_178 : i32 to vector<16xi32>
      %parallel_loop3A_195 = arith.addi %parallel_loop3A_194, %add3A_64 : vector<16xi32>
      %parallel_loop3A_196 = tpu.vector_load_idx %arg4[%parallel_loop3A_174, %parallel_loop3A_195] : memref<8x4224xf32, #tpu.memory_space<vmem>>[vector<16xi32>, vector<16xi32>], vector<16xf32>,
      %parallel_loop3A_197 = vector.broadcast %parallel_loop3A_178 : i32 to vector<16xi32>
      %parallel_loop3A_198 = arith.addi %parallel_loop3A_197, %add3A_74 : vector<16xi32>
      %parallel_loop3A_199 = tpu.vector_load_idx %arg4[%parallel_loop3A_174, %parallel_loop3A_198] : memref<8x4224xf32, #tpu.memory_space<vmem>>[vector<16xi32>, vector<16xi32>], vector<16xf32>,
      %parallel_loop3A_200 = vector.broadcast %parallel_loop3A_178 : i32 to vector<16xi32>
      %parallel_loop3A_201 = arith.addi %parallel_loop3A_200, %add3A_84 : vector<16xi32>
      %parallel_loop3A_202 = tpu.vector_load_idx %arg4[%parallel_loop3A_174, %parallel_loop3A_201] : memref<8x4224xf32, #tpu.memory_space<vmem>>[vector<16xi32>, vector<16xi32>], vector<16xf32>,
      %parallel_loop3A_203 = vector.broadcast %parallel_loop3A_178 : i32 to vector<16xi32>
      %parallel_loop3A_204 = arith.addi %parallel_loop3A_203, %add3A_94 : vector<16xi32>
      %parallel_loop3A_205 = tpu.vector_load_idx %arg4[%parallel_loop3A_174, %parallel_loop3A_204] : memref<8x4224xf32, #tpu.memory_space<vmem>>[vector<16xi32>, vector<16xi32>], vector<16xf32>,
      %parallel_loop3A_206 = vector.broadcast %parallel_loop3A_178 : i32 to vector<16xi32>
      %parallel_loop3A_207 = arith.addi %parallel_loop3A_206, %add3A_104 : vector<16xi32>
      %parallel_loop3A_208 = tpu.vector_load_idx %arg4[%parallel_loop3A_174, %parallel_loop3A_207] : memref<8x4224xf32, #tpu.memory_space<vmem>>[vector<16xi32>, vector<16xi32>], vector<16xf32>,
      %parallel_loop3A_209 = vector.broadcast %parallel_loop3A_178 : i32 to vector<16xi32>
      %parallel_loop3A_210 = arith.addi %parallel_loop3A_209, %add3A_114 : vector<16xi32>
      %parallel_loop3A_211 = tpu.vector_load_idx %arg4[%parallel_loop3A_174, %parallel_loop3A_210] : memref<8x4224xf32, #tpu.memory_space<vmem>>[vector<16xi32>, vector<16xi32>], vector<16xf32>,
      %parallel_loop3A_212 = vector.broadcast %parallel_loop3A_178 : i32 to vector<16xi32>
      %parallel_loop3A_213 = arith.addi %parallel_loop3A_212, %add3A_124 : vector<16xi32>
      %parallel_loop3A_214 = tpu.vector_load_idx %arg4[%parallel_loop3A_174, %parallel_loop3A_213] : memref<8x4224xf32, #tpu.memory_space<vmem>>[vector<16xi32>, vector<16xi32>], vector<16xf32>,
      %parallel_loop3A_215 = vector.broadcast %parallel_loop3A_178 : i32 to vector<16xi32>
      %parallel_loop3A_216 = arith.addi %parallel_loop3A_215, %add3A_134 : vector<16xi32>
      %parallel_loop3A_217 = tpu.vector_load_idx %arg4[%parallel_loop3A_174, %parallel_loop3A_216] : memref<8x4224xf32, #tpu.memory_space<vmem>>[vector<16xi32>, vector<16xi32>], vector<16xf32>,
      %parallel_loop3A_218 = vector.broadcast %parallel_loop3A_178 : i32 to vector<16xi32>
      %parallel_loop3A_219 = arith.addi %parallel_loop3A_218, %add3A_144 : vector<16xi32>
      %parallel_loop3A_220 = tpu.vector_load_idx %arg4[%parallel_loop3A_174, %parallel_loop3A_219] : memref<8x4224xf32, #tpu.memory_space<vmem>>[vector<16xi32>, vector<16xi32>], vector<16xf32>,
      %parallel_loop3A_221 = vector.broadcast %parallel_loop3A_178 : i32 to vector<16xi32>
      %parallel_loop3A_222 = arith.addi %parallel_loop3A_221, %add3A_154 : vector<16xi32>
      %parallel_loop3A_223 = tpu.vector_load_idx %arg4[%parallel_loop3A_174, %parallel_loop3A_222] : memref<8x4224xf32, #tpu.memory_space<vmem>>[vector<16xi32>, vector<16xi32>], vector<16xf32>,
      %parallel_loop3A_224 = vector.broadcast %parallel_loop3A_178 : i32 to vector<16xi32>
      %parallel_loop3A_225 = arith.addi %parallel_loop3A_224, %add3A_164 : vector<16xi32>
      %parallel_loop3A_226 = tpu.vector_load_idx %arg4[%parallel_loop3A_174, %parallel_loop3A_225] : memref<8x4224xf32, #tpu.memory_space<vmem>>[vector<16xi32>, vector<16xi32>], vector<16xf32>,
      %parallel_loop3A_227 = arith.maximumf %parallel_loop3A_181, %parallel_loop3A_184 : vector<16xf32>
      %parallel_loop3A_228 = arith.maximumf %parallel_loop3A_187, %parallel_loop3A_190 : vector<16xf32>
      %parallel_loop3A_229 = arith.maximumf %parallel_loop3A_193, %parallel_loop3A_196 : vector<16xf32>
      %parallel_loop3A_230 = arith.maximumf %parallel_loop3A_199, %parallel_loop3A_202 : vector<16xf32>
      %parallel_loop3A_231 = arith.maximumf %parallel_loop3A_205, %parallel_loop3A_208 : vector<16xf32>
      %parallel_loop3A_232 = arith.maximumf %parallel_loop3A_211, %parallel_loop3A_214 : vector<16xf32>
      %parallel_loop3A_233 = arith.maximumf %parallel_loop3A_217, %parallel_loop3A_220 : vector<16xf32>
      %parallel_loop3A_234 = arith.maximumf %parallel_loop3A_223, %parallel_loop3A_226 : vector<16xf32>
      %parallel_loop3A_235 = arith.maximumf %parallel_loop3A_227, %parallel_loop3A_228 : vector<16xf32>
      %parallel_loop3A_236 = arith.maximumf %parallel_loop3A_229, %parallel_loop3A_230 : vector<16xf32>
      %parallel_loop3A_237 = arith.maximumf %parallel_loop3A_231, %parallel_loop3A_232 : vector<16xf32>
      %parallel_loop3A_238 = arith.maximumf %parallel_loop3A_233, %parallel_loop3A_234 : vector<16xf32>
      %parallel_loop3A_239 = arith.maximumf %parallel_loop3A_235, %parallel_loop3A_236 : vector<16xf32>
      %parallel_loop3A_240 = arith.maximumf %parallel_loop3A_237, %parallel_loop3A_238 : vector<16xf32>
      %parallel_loop3A_241 = arith.maximumf %parallel_loop3A_239, %parallel_loop3A_240 : vector<16xf32>
      %parallel_loop3A_242 = arith.subf %parallel_loop3A_181, %parallel_loop3A_241 : vector<16xf32>
      %parallel_loop3A_243 = math.exp %parallel_loop3A_242 : vector<16xf32>
      %parallel_loop3A_244 = arith.subf %parallel_loop3A_184, %parallel_loop3A_241 : vector<16xf32>
      %parallel_loop3A_245 = math.exp %parallel_loop3A_244 : vector<16xf32>
      %parallel_loop3A_246 = arith.subf %parallel_loop3A_187, %parallel_loop3A_241 : vector<16xf32>
      %parallel_loop3A_247 = math.exp %parallel_loop3A_246 : vector<16xf32>
      %parallel_loop3A_248 = arith.subf %parallel_loop3A_190, %parallel_loop3A_241 : vector<16xf32>
      %parallel_loop3A_249 = math.exp %parallel_loop3A_248 : vector<16xf32>
      %parallel_loop3A_250 = arith.subf %parallel_loop3A_193, %parallel_loop3A_241 : vector<16xf32>
      %parallel_loop3A_251 = math.exp %parallel_loop3A_250 : vector<16xf32>
      %parallel_loop3A_252 = arith.subf %parallel_loop3A_196, %parallel_loop3A_241 : vector<16xf32>
      %parallel_loop3A_253 = math.exp %parallel_loop3A_252 : vector<16xf32>
      %parallel_loop3A_254 = arith.subf %parallel_loop3A_199, %parallel_loop3A_241 : vector<16xf32>
      %parallel_loop3A_255 = math.exp %parallel_loop3A_254 : vector<16xf32>
      %parallel_loop3A_256 = arith.subf %parallel_loop3A_202, %parallel_loop3A_241 : vector<16xf32>
      %parallel_loop3A_257 = math.exp %parallel_loop3A_256 : vector<16xf32>
      %parallel_loop3A_258 = arith.subf %parallel_loop3A_205, %parallel_loop3A_241 : vector<16xf32>
      %parallel_loop3A_259 = math.exp %parallel_loop3A_258 : vector<16xf32>
      %parallel_loop3A_260 = arith.subf %parallel_loop3A_208, %parallel_loop3A_241 : vector<16xf32>
      %parallel_loop3A_261 = math.exp %parallel_loop3A_260 : vector<16xf32>
      %parallel_loop3A_262 = arith.subf %parallel_loop3A_211, %parallel_loop3A_241 : vector<16xf32>
      %parallel_loop3A_263 = math.exp %parallel_loop3A_262 : vector<16xf32>
      %parallel_loop3A_264 = arith.subf %parallel_loop3A_214, %parallel_loop3A_241 : vector<16xf32>
      %parallel_loop3A_265 = math.exp %parallel_loop3A_264 : vector<16xf32>
      %parallel_loop3A_266 = arith.subf %parallel_loop3A_217, %parallel_loop3A_241 : vector<16xf32>
      %parallel_loop3A_267 = math.exp %parallel_loop3A_266 : vector<16xf32>
      %parallel_loop3A_268 = arith.subf %parallel_loop3A_220, %parallel_loop3A_241 : vector<16xf32>
      %parallel_loop3A_269 = math.exp %parallel_loop3A_268 : vector<16xf32>
      %parallel_loop3A_270 = arith.subf %parallel_loop3A_223, %parallel_loop3A_241 : vector<16xf32>
      %parallel_loop3A_271 = math.exp %parallel_loop3A_270 : vector<16xf32>
      %parallel_loop3A_272 = arith.subf %parallel_loop3A_226, %parallel_loop3A_241 : vector<16xf32>
      %parallel_loop3A_273 = math.exp %parallel_loop3A_272 : vector<16xf32>
      %parallel_loop3A_274 = arith.addf %parallel_loop3A_243, %parallel_loop3A_245 : vector<16xf32>
      %parallel_loop3A_275 = arith.addf %parallel_loop3A_247, %parallel_loop3A_249 : vector<16xf32>
      %parallel_loop3A_276 = arith.addf %parallel_loop3A_251, %parallel_loop3A_253 : vector<16xf32>
      %parallel_loop3A_277 = arith.addf %parallel_loop3A_255, %parallel_loop3A_257 : vector<16xf32>
      %parallel_loop3A_278 = arith.addf %parallel_loop3A_259, %parallel_loop3A_261 : vector<16xf32>
      %parallel_loop3A_279 = arith.addf %parallel_loop3A_263, %parallel_loop3A_265 : vector<16xf32>
      %parallel_loop3A_280 = arith.addf %parallel_loop3A_267, %parallel_loop3A_269 : vector<16xf32>
      %parallel_loop3A_281 = arith.addf %parallel_loop3A_271, %parallel_loop3A_273 : vector<16xf32>
      %parallel_loop3A_282 = arith.addf %parallel_loop3A_274, %parallel_loop3A_275 : vector<16xf32>
      %parallel_loop3A_283 = arith.addf %parallel_loop3A_276, %parallel_loop3A_277 : vector<16xf32>
      %parallel_loop3A_284 = arith.addf %parallel_loop3A_278, %parallel_loop3A_279 : vector<16xf32>
      %parallel_loop3A_285 = arith.addf %parallel_loop3A_280, %parallel_loop3A_281 : vector<16xf32>
      %parallel_loop3A_286 = arith.addf %parallel_loop3A_282, %parallel_loop3A_283 : vector<16xf32>
      %parallel_loop3A_287 = arith.addf %parallel_loop3A_284, %parallel_loop3A_285 : vector<16xf32>
      %parallel_loop3A_288 = arith.addf %parallel_loop3A_286, %parallel_loop3A_287 : vector<16xf32>
      %parallel_loop3A_289 = arith.constant 16 : i32
      %parallel_loop3A_290 = arith.muli %parallel_loop3A_289, %parallel_loop3A_173 : i32
      %parallel_loop3A_291 = vector.broadcast %parallel_loop3A_290 : i32 to vector<16xi32>
      %parallel_loop3A_292 = arith.addi %parallel_loop3A_291, %iota3A : vector<16xi32>
      %parallel_loop3A_293 = vector.bitcast %parallel_loop3A_288 : vector<16xf32> to vector<16xi32>
      %parallel_loop3A_294 = arith.constant 23 : i32
      %parallel_loop3A_295 = vector.broadcast %parallel_loop3A_294 : i32 to vector<16xi32>
      %parallel_loop3A_296 = arith.shrsi %parallel_loop3A_293, %parallel_loop3A_295 : vector<16xi32>
      %parallel_loop3A_297 = arith.constant 127 : i32
      %parallel_loop3A_298 = vector.broadcast %parallel_loop3A_297 : i32 to vector<16xi32>
      %parallel_loop3A_299 = arith.subi %parallel_loop3A_296, %parallel_loop3A_298 : vector<16xi32>
      %parallel_loop3A_300 = arith.sitofp %parallel_loop3A_299 : vector<16xi32> to vector<16xf32>
      %parallel_loop3A_301 = arith.constant 8388607 : i32
      %parallel_loop3A_302 = vector.broadcast %parallel_loop3A_301 : i32 to vector<16xi32>
      %parallel_loop3A_303 = arith.andi %parallel_loop3A_293, %parallel_loop3A_302 : vector<16xi32>
      %parallel_loop3A_304 = arith.constant 1065353216 : i32
      %parallel_loop3A_305 = vector.broadcast %parallel_loop3A_304 : i32 to vector<16xi32>
      %parallel_loop3A_306 = arith.ori %parallel_loop3A_303, %parallel_loop3A_305 : vector<16xi32>
      %parallel_loop3A_307 = vector.bitcast %parallel_loop3A_306 : vector<16xi32> to vector<16xf32>
      %parallel_loop3A_308 = arith.constant 1.000000e+00 : f32
      %parallel_loop3A_309 = vector.broadcast %parallel_loop3A_308 : f32 to vector<16xf32>
      %parallel_loop3A_310 = arith.subf %parallel_loop3A_307, %parallel_loop3A_309 : vector<16xf32>
      %parallel_loop3A_311 = arith.constant 0.693147182 : f32
      %parallel_loop3A_312 = vector.broadcast %parallel_loop3A_311 : f32 to vector<16xf32>
      %parallel_loop3A_313 = arith.mulf %parallel_loop3A_300, %parallel_loop3A_312 : vector<16xf32>
      %parallel_loop3A_314 = arith.constant -0.0548628531 : f32
      %parallel_loop3A_315 = vector.broadcast %parallel_loop3A_314 : f32 to vector<16xf32>
      %parallel_loop3A_316 = arith.mulf %parallel_loop3A_310, %parallel_loop3A_315 : vector<16xf32>
      %parallel_loop3A_317 = arith.constant 0.216410443 : f32
      %parallel_loop3A_318 = vector.broadcast %parallel_loop3A_317 : f32 to vector<16xf32>
      %parallel_loop3A_319 = arith.addf %parallel_loop3A_318, %parallel_loop3A_316 : vector<16xf32>
      %parallel_loop3A_320 = arith.mulf %parallel_loop3A_310, %parallel_loop3A_319 : vector<16xf32>
      %parallel_loop3A_321 = arith.constant -0.464072585 : f32
      %parallel_loop3A_322 = vector.broadcast %parallel_loop3A_321 : f32 to vector<16xf32>
      %parallel_loop3A_323 = arith.addf %parallel_loop3A_322, %parallel_loop3A_320 : vector<16xf32>
      %parallel_loop3A_324 = arith.mulf %parallel_loop3A_310, %parallel_loop3A_323 : vector<16xf32>
      %parallel_loop3A_325 = arith.constant 0.99542731 : f32
      %parallel_loop3A_326 = vector.broadcast %parallel_loop3A_325 : f32 to vector<16xf32>
      %parallel_loop3A_327 = arith.addf %parallel_loop3A_326, %parallel_loop3A_324 : vector<16xf32>
      %parallel_loop3A_328 = arith.mulf %parallel_loop3A_310, %parallel_loop3A_327 : vector<16xf32>
      %parallel_loop3A_329 = arith.constant 1.41512181E-4 : f32
      %parallel_loop3A_330 = vector.broadcast %parallel_loop3A_329 : f32 to vector<16xf32>
      %parallel_loop3A_331 = arith.addf %parallel_loop3A_330, %parallel_loop3A_328 : vector<16xf32>
      %parallel_loop3A_332 = arith.addf %parallel_loop3A_313, %parallel_loop3A_331 : vector<16xf32>
      %parallel_loop3A_333 = arith.constant 0.000000e+00 : f32
      %parallel_loop3A_334 = vector.broadcast %parallel_loop3A_333 : f32 to vector<16xf32>
      %parallel_loop3A_335 = arith.subf %parallel_loop3A_334, %parallel_loop3A_332 : vector<16xf32>
      %parallel_loop3A_336 = math.exp %parallel_loop3A_335 : vector<16xf32>
      %parallel_loop3A_337 = arith.mulf %parallel_loop3A_288, %parallel_loop3A_336 : vector<16xf32>
      %parallel_loop3A_338 = arith.addf %parallel_loop3A_332, %parallel_loop3A_337 : vector<16xf32>
      %parallel_loop3A_339 = arith.constant 1.000000e+00 : f32
      %parallel_loop3A_340 = vector.broadcast %parallel_loop3A_339 : f32 to vector<16xf32>
      %parallel_loop3A_341 = arith.subf %parallel_loop3A_338, %parallel_loop3A_340 : vector<16xf32>
      %parallel_loop3A_342 = arith.constant 0.000000e+00 : f32
      %parallel_loop3A_343 = vector.broadcast %parallel_loop3A_342 : f32 to vector<16xf32>
      %parallel_loop3A_344 = arith.subf %parallel_loop3A_343, %parallel_loop3A_341 : vector<16xf32>
      %parallel_loop3A_345 = math.exp %parallel_loop3A_344 : vector<16xf32>
      %parallel_loop3A_346 = arith.mulf %parallel_loop3A_288, %parallel_loop3A_345 : vector<16xf32>
      %parallel_loop3A_347 = arith.addf %parallel_loop3A_341, %parallel_loop3A_346 : vector<16xf32>
      %parallel_loop3A_348 = arith.constant 1.000000e+00 : f32
      %parallel_loop3A_349 = vector.broadcast %parallel_loop3A_348 : f32 to vector<16xf32>
      %parallel_loop3A_350 = arith.subf %parallel_loop3A_347, %parallel_loop3A_349 : vector<16xf32>
      %parallel_loop3A_351 = arith.addf %parallel_loop3A_241, %parallel_loop3A_350 : vector<16xf32>
      tpu.vector_store_idx %arg5[%parallel_loop3A_174, %parallel_loop3A_292], %parallel_loop3A_351 : memref<8x256xf32, #tpu.memory_space<vmem>>[vector<16xi32>, vector<16xi32>], vector<16xf32>,
    } {sc.loop_unroll_factor = 2 : i64, sc.parallel_access}
    %mul3A_167 = arith.constant 256 : i32
    %mul3A_168 = arith.muli %mul3A_167, %arg1 : i32
    "tpu.region"() ({
      %run_scoped3A = tpu.sem_alloc : memref<!tpu.dma_semaphore, #tpu.memory_space<semaphore_mem>>
      %dma_start3A = tpu.memref_slice %arg3[%mul3A_0, %mul3A_168] : memref<16x4096xf32, #tpu.memory_space<hbm>> -> memref<8x256xf32, #tpu.memory_space<hbm>>
      %dma_start3A_169 = tpu.memref_slice %arg3[%mul3A_0, %mul3A_168] : memref<16x4096xf32, #tpu.memory_space<hbm>> -> memref<8x256xf32, #tpu.memory_space<hbm>>
      tpu.enqueue_dma source(%arg5 : memref<8x256xf32, #tpu.memory_space<vmem>>) target(%dma_start3A_169 : memref<8x256xf32, #tpu.memory_space<hbm>>) target_semaphore(%run_scoped3A : memref<!tpu.dma_semaphore, #tpu.memory_space<semaphore_mem>>)
      %dma_wait3A = tpu.memref_slice %arg3[%mul3A_0, %mul3A_168] : memref<16x4096xf32, #tpu.memory_space<hbm>> -> memref<8x256xf32, #tpu.memory_space<hbm>>
      %dma_wait3A_170 = tpu.memref_slice %arg3[%mul3A_0, %mul3A_168] : memref<16x4096xf32, #tpu.memory_space<hbm>> -> memref<8x256xf32, #tpu.memory_space<hbm>>
      tpu.wait_dma2 semaphore(%run_scoped3A : memref<!tpu.dma_semaphore, #tpu.memory_space<semaphore_mem>>) src(%arg5 : memref<8x256xf32, #tpu.memory_space<vmem>>) dst(%dma_wait3A_170 : memref<8x256xf32, #tpu.memory_space<hbm>>)
      tpu.yield
    }) : () -> ()
    return
  }
}

module attributes {stable_mosaic.version = 14 : i64} {
  func.func @_copy_body(%arg0: i32, %arg1: memref<16x4096xf32, #tpu.memory_space<vmem>>, %arg2: memref<16x4096xf32, #tpu.memory_space<vmem>>) attributes {dimension_semantics = [#tpu.dimension_semantics<arbitrary>], iteration_bounds = array<i64: 18>, scalar_prefetch = 0 : i64, scratch_operands = 0 : i64, tpu.core_type = #tpu.core_type<tc>, window_params = [{transform_indices = @transform_0, window_bounds = array<i64: 16, 4096>}, {transform_indices = @transform_1, window_bounds = array<i64: 16, 4096>}]} {
    %get3A = arith.constant 0 : index
    %get3A_0 = arith.constant 0 : index
    %get3A_1 = vector.load %arg1[%get3A, %get3A_0] : memref<16x4096xf32, #tpu.memory_space<vmem>>, vector<16x4096xf32>
    %swap3A = arith.constant 0 : index
    %swap3A_2 = arith.constant 0 : index
    %swap3A_3 = vector.load %arg2[%swap3A, %swap3A_2] : memref<16x4096xf32, #tpu.memory_space<vmem>>, vector<16x4096xf32>
    tpu.vector_store %arg2[%swap3A, %swap3A_2], %get3A_1 {strides = array<i32>} : memref<16x4096xf32, #tpu.memory_space<vmem>>, vector<16x4096xf32>,
    return
  }
  func.func @transform_0(%arg0: i32) -> (i32, i32) {
    %c0_i32 = arith.constant 0 : i32
    %c0_i32_0 = arith.constant 0 : i32
    return %c0_i32, %arg0 : i32, i32
  }
  func.func @transform_1(%arg0: i32) -> (i32, i32) {
    %c0_i32 = arith.constant 0 : i32
    %c0_i32_0 = arith.constant 0 : i32
    return %c0_i32, %arg0 : i32, i32
  }
}

module attributes {stable_mosaic.version = 14 : i64} {
  func.func @_top_body(%arg0: i32, %arg1: memref<16x69905xf32, #tpu.memory_space<any>>, %arg2: memref<16x4480xf32, #tpu.memory_space<vmem>>, %arg3: memref<16x512xf32, #tpu.memory_space<vmem>>, %arg4: memref<16x4096xf32, #tpu.memory_space<vmem>>, %arg5: memref<16x4480xf32, #tpu.memory_space<vmem>>) attributes {dimension_semantics = [#tpu.dimension_semantics<arbitrary>], iteration_bounds = array<i64: 1>, scalar_prefetch = 0 : i64, scratch_operands = 0 : i64, tpu.core_type = #tpu.core_type<tc>, window_params = [{}, {transform_indices = @transform_1, window_bounds = array<i64: 16, 4480>}, {transform_indices = @transform_2, window_bounds = array<i64: 16, 512>}, {pipeline_mode = #tpu.pipeline_mode<synchronous>, transform_indices = @transform_3, window_bounds = array<i64: 16, 4096>}, {transform_indices = @transform_4, window_bounds = array<i64: 16, 4480>}]} {
    %get3A = arith.constant 0 : index
    %get3A_0 = arith.constant 0 : index
    %get3A_1 = vector.load %arg2[%get3A, %get3A_0] : memref<16x4480xf32, #tpu.memory_space<vmem>>, vector<16x4480xf32>
    %get3A_2 = arith.constant 0 : index
    %get3A_3 = arith.constant 241 : index
    %get3A_4 = vector.load %arg3[%get3A_2, %get3A_3] : memref<16x512xf32, #tpu.memory_space<vmem>>, vector<16x32xf32>
    %reduce_max3A = arith.constant dense<0xFF800000> : vector<16xf32>
    %reduce_max3A_5 = vector.multi_reduction <maximumf>, %get3A_4, %reduce_max3A [1] : vector<16x32xf32> to vector<16xf32>
    %broadcast_in_dim3A = vector.shape_cast %reduce_max3A_5 : vector<16xf32> to vector<16x1xf32>
    %sub3A = vector.broadcast %broadcast_in_dim3A : vector<16x1xf32> to vector<16x32xf32>
    %sub3A_6 = arith.subf %get3A_4, %sub3A : vector<16x32xf32>
    %reshape3A = vector.shape_cast %sub3A_6 : vector<16x32xf32> to vector<16x2x16xf32>
    %exp3A = math.exp %reshape3A : vector<16x2x16xf32>
    %reduce_sum3A = arith.constant dense<0.000000e+00> : vector<16x2xf32>
    %reduce_sum3A_7 = vector.multi_reduction <add>, %exp3A, %reduce_sum3A [2] : vector<16x2x16xf32> to vector<16x2xf32>
    %log3A = math.log %reduce_sum3A_7 : vector<16x2xf32>
    %add3A = vector.broadcast %broadcast_in_dim3A : vector<16x1xf32> to vector<16x2xf32>
    %add3A_8 = arith.addf %add3A, %log3A : vector<16x2xf32>
    %get3A_9 = arith.constant 0 : index
    %get3A_10 = arith.constant 0 : index
    %get3A_11 = vector.load %arg4[%get3A_9, %get3A_10] : memref<16x4096xf32, #tpu.memory_space<vmem>>, vector<16x4094xf32>
    %concatenate3A = tpu.concatenate %get3A_11, %add3A_8 in 1 : vector<16x4094xf32>, vector<16x2xf32> -> vector<16x4096xf32>
    %slice3A = vector.extract_strided_slice %get3A_1 {offsets = [0, 273], sizes = [16, 4096], strides = [1, 1]} : vector<16x4480xf32> to vector<16x4096xf32>
    %max3A = arith.maximumf %slice3A, %concatenate3A : vector<16x4096xf32>
    %slice3A_12 = vector.extract_strided_slice %get3A_1 {offsets = [0, 17], sizes = [16, 256], strides = [1, 1]} : vector<16x4480xf32> to vector<16x256xf32>
    %reduce_max3A_13 = arith.constant dense<0xFF800000> : vector<16xf32>
    %reduce_max3A_14 = vector.multi_reduction <maximumf>, %max3A, %reduce_max3A_13 [1] : vector<16x4096xf32> to vector<16xf32>
    %broadcast_in_dim3A_15 = vector.shape_cast %reduce_max3A_14 : vector<16xf32> to vector<16x1xf32>
    %sub3A_16 = vector.broadcast %broadcast_in_dim3A_15 : vector<16x1xf32> to vector<16x4096xf32>
    %sub3A_17 = arith.subf %max3A, %sub3A_16 : vector<16x4096xf32>
    %reshape3A_18 = vector.shape_cast %sub3A_17 : vector<16x4096xf32> to vector<16x256x16xf32>
    %exp3A_19 = math.exp %reshape3A_18 : vector<16x256x16xf32>
    %reduce_sum3A_20 = arith.constant dense<0.000000e+00> : vector<16x256xf32>
    %reduce_sum3A_21 = vector.multi_reduction <add>, %exp3A_19, %reduce_sum3A_20 [2] : vector<16x256x16xf32> to vector<16x256xf32>
    %log3A_22 = math.log %reduce_sum3A_21 : vector<16x256xf32>
    %add3A_23 = vector.broadcast %broadcast_in_dim3A_15 : vector<16x1xf32> to vector<16x256xf32>
    %add3A_24 = arith.addf %add3A_23, %log3A_22 : vector<16x256xf32>
    %max3A_25 = arith.maximumf %slice3A_12, %add3A_24 : vector<16x256xf32>
    %slice3A_26 = vector.extract_strided_slice %get3A_1 {offsets = [0, 1], sizes = [16, 16], strides = [1, 1]} : vector<16x4480xf32> to vector<16x16xf32>
    %reduce_max3A_27 = arith.constant dense<0xFF800000> : vector<16xf32>
    %reduce_max3A_28 = vector.multi_reduction <maximumf>, %max3A_25, %reduce_max3A_27 [1] : vector<16x256xf32> to vector<16xf32>
    %broadcast_in_dim3A_29 = vector.shape_cast %reduce_max3A_28 : vector<16xf32> to vector<16x1xf32>
    %sub3A_30 = vector.broadcast %broadcast_in_dim3A_29 : vector<16x1xf32> to vector<16x256xf32>
    %sub3A_31 = arith.subf %max3A_25, %sub3A_30 : vector<16x256xf32>
    %reshape3A_32 = vector.shape_cast %sub3A_31 : vector<16x256xf32> to vector<16x16x16xf32>
    %exp3A_33 = math.exp %reshape3A_32 : vector<16x16x16xf32>
    %reduce_sum3A_34 = arith.constant dense<0.000000e+00> : vector<16x16xf32>
    %reduce_sum3A_35 = vector.multi_reduction <add>, %exp3A_33, %reduce_sum3A_34 [2] : vector<16x16x16xf32> to vector<16x16xf32>
    %log3A_36 = math.log %reduce_sum3A_35 : vector<16x16xf32>
    %add3A_37 = vector.broadcast %broadcast_in_dim3A_29 : vector<16x1xf32> to vector<16x16xf32>
    %add3A_38 = arith.addf %add3A_37, %log3A_36 : vector<16x16xf32>
    %max3A_39 = arith.maximumf %slice3A_26, %add3A_38 : vector<16x16xf32>
    %slice3A_40 = vector.extract_strided_slice %get3A_1 {offsets = [0, 0], sizes = [16, 1], strides = [1, 1]} : vector<16x4480xf32> to vector<16x1xf32>
    %reduce_max3A_41 = arith.constant dense<0xFF800000> : vector<16xf32>
    %reduce_max3A_42 = vector.multi_reduction <maximumf>, %max3A_39, %reduce_max3A_41 [1] : vector<16x16xf32> to vector<16xf32>
    %broadcast_in_dim3A_43 = vector.shape_cast %reduce_max3A_42 : vector<16xf32> to vector<16x1xf32>
    %sub3A_44 = vector.broadcast %broadcast_in_dim3A_43 : vector<16x1xf32> to vector<16x16xf32>
    %sub3A_45 = arith.subf %max3A_39, %sub3A_44 : vector<16x16xf32>
    %reshape3A_46 = vector.shape_cast %sub3A_45 : vector<16x16xf32> to vector<16x1x16xf32>
    %exp3A_47 = math.exp %reshape3A_46 : vector<16x1x16xf32>
    %reduce_sum3A_48 = arith.constant dense<0.000000e+00> : vector<16x1xf32>
    %reduce_sum3A_49 = vector.multi_reduction <add>, %exp3A_47, %reduce_sum3A_48 [2] : vector<16x1x16xf32> to vector<16x1xf32>
    %log3A_50 = math.log %reduce_sum3A_49 : vector<16x1xf32>
    %add3A_51 = arith.addf %broadcast_in_dim3A_43, %log3A_50 : vector<16x1xf32>
    %max3A_52 = arith.maximumf %slice3A_40, %add3A_51 : vector<16x1xf32>
    %slice3A_53 = vector.extract_strided_slice %get3A_1 {offsets = [0, 4369], sizes = [16, 111], strides = [1, 1]} : vector<16x4480xf32> to vector<16x111xf32>
    %concatenate3A_54 = tpu.concatenate %max3A_52, %max3A_39, %max3A_25, %max3A, %slice3A_53 in 1 : vector<16x1xf32>, vector<16x16xf32>, vector<16x256xf32>, vector<16x4096xf32>, vector<16x111xf32> -> vector<16x4480xf32>
    %swap3A = arith.constant 0 : index
    %swap3A_55 = arith.constant 0 : index
    %swap3A_56 = vector.load %arg5[%swap3A, %swap3A_55] : memref<16x4480xf32, #tpu.memory_space<vmem>>, vector<16x4480xf32>
    tpu.vector_store %arg5[%swap3A, %swap3A_55], %concatenate3A_54 {strides = array<i32>} : memref<16x4480xf32, #tpu.memory_space<vmem>>, vector<16x4480xf32>,
    return
  }
  func.func @transform_1(%arg0: i32) -> (i32, i32) {
    %c0_i32 = arith.constant 0 : i32
    %c0_i32_0 = arith.constant 0 : i32
    %c0_i32_1 = arith.constant 0 : i32
    return %c0_i32, %c0_i32_0 : i32, i32
  }
  func.func @transform_2(%arg0: i32) -> (i32, i32) {
    %c0_i32 = arith.constant 0 : i32
    %c136_i32 = arith.constant 136 : i32
    %c0_i32_0 = arith.constant 0 : i32
    return %c0_i32, %c136_i32 : i32, i32
  }
  func.func @transform_3(%arg0: i32) -> (i32, i32) {
    %c0_i32 = arith.constant 0 : i32
    %c0_i32_0 = arith.constant 0 : i32
    %c0_i32_1 = arith.constant 0 : i32
    return %c0_i32, %c0_i32_0 : i32, i32
  }
  func.func @transform_4(%arg0: i32) -> (i32, i32) {
    %c0_i32 = arith.constant 0 : i32
    %c0_i32_0 = arith.constant 0 : i32
    %c0_i32_1 = arith.constant 0 : i32
    return %c0_i32, %c0_i32_0 : i32, i32
  }
}

</mosaic_0001>

<sc_bundles>
// kernel: kernel.5.cloned.1.call-start
scs
__scs_entry_jumppad:
0x0: {  	(pc) =	sbr.rel $0x88, $3  }
0x1: {  	(tag) =	ssettag $0x0;
	lr =	simm.s32 $0x1  }
0x2: {  	[smem:$0x3FA0] =	sst lr;
	_ =	strace $0xD0000000  }
0x3: {  	_ = 	snop  }
0x4: {  	_ = 	snop  }
0x5: {  	_ = 	snop  }
0x6: {  	_ = 	snop  }
0x7: {  	_ = 	snop  }
__scs_overlays_trampoline_lowered:
0x8: {  	[smem:$0x3FAF] =	sst s0  }
0x9: {  	[smem:$0x3FB0] =	sst s1  }
0xa: {  	[smem:$0x3FB1] =	sst s2  }
0xb: {  	[smem:$0x3FB2] =	sst s3  }
0xc: {  	[smem:$0x3FB3] =	sst s4  }
0xd: {  	[smem:$0x3FB4] =	sst s5  }
0xe: {  	[smem:$0x3FB5] =	sst s6  }
0xf: {  	[smem:$0x3FB6] =	sst s7  }
0x10: {  	[smem:$0x3FB7] =	sst s8  }
0x11: {  	[smem:$0x3FB8] =	sst s9;
	s0 =	simm.s32 @!p0 $0x0  }
0x12: {  	s1 =	sld [smem:$0x3F9E];
	s0 =	simm.s32 @p0 $0x1  }
0x13: {  	[smem:$0x3FB9] =	sst s0;
	s0 =	simm.s32 @!p1 $0x0  }
0x14: {  	s2 =	sld [smem:$0x3F9D];
	s0 =	simm.s32 @p1 $0x1  }
0x15: {  	[smem:$0x3FBA] =	sst s0;
	s0 =	simm.s32 @!p2 $0x0  }
0x16: {  	s3 =	sld [smem:$0x3FDB];
	s0 =	simm.s32 @p2 $0x1  }
0x17: {  	s4 =	simm.s32 $0x1BF5;
	[smem:$0x3FBC] =	sst s0  }
0x18: {  	s0 =	sld [smem:$0x3F9F];
	_ =	swait.ge [sflag:s4], $0x0  }
0x19: {  	s7 =	sld [smem:$0x3FA0]  }
0x1a: {  	s8 =	sadd.s32 $0xFFFFE003, lr  }
0x1b: {  	s9 =	sadd.s32 $0xFFFFFEF7, lr;
	s5 =	simm.s32 $0xFFFFFFFF;
	p2 =	slt.u32 s8, $0xFFFFF086  }
0x1c: {  	p1 =	slt.u32 s9, $0xF7A;
	s5 =	simm.s32 @!p2 $0x0  }
0x1d: {  	s5 =	simm.s32 @p1 $0x1;
	p0 =	seq.s32 s7, s2  }
0x1e: {  	s7 =	smul.u32 @!p0 $0xF7A, s2;
	p2 =	seq.s32 @!p0 s5, $0x0  }
0x1f: {  	s9 =	smul.u32 $0xF7A, s1;
	s8 =	simm.s32 @!p0 $0x1BF5;
	p2 =	por !p2, p0  }
0x20: {  	[sflag:s8] =	ssyncset.s32 @!p0 $0xFFFFF086;
	s6 =	sadd.s32 @!p0 s3, s7;
	s7 =	simm.s32 @!p0 $0x108  }
0x21: {  	s3 =	sadd.s32 s3, s9;
	s6 =	sadd.s32 @!p0 $0x88, s6;
	s7 =	simm.s32 @p2 $0x1082  }
0x22: {  	[simem:s7], [sflag:s8] =	dma.local @!p0 [hbm:s6], $0xF7A  }
0x23: {  	s9 =	sor.u32 $0xD0000000, s2;
	s6 =	simm.s32 $0x108;
	_ =	swait.ge @!p0 [sflag:s8], $0x0  }
0x24: {  	s3 =	sadd.s32 $0x88, s3;
	s6 =	simm.s32 @!p1 $0x1082;
	[sflag:s4] =	ssyncset.s32 $0xFFFFF086  }
0x25: {  	[simem:s6], [sflag:s4] =	dma.local [hbm:s3], $0xF7A  }
0x26: {  	[smem:$0x3FA0] =	sst s1;
	(tag) =	ssettag s2;
	_ =	strace s9  }
0x27: {  	s1 =	sld [smem:$0x3FB0]  }
0x28: {  	s2 =	sld [smem:$0x3FB1]  }
0x29: {  	s4 =	sld [smem:$0x3FB3]  }
0x2a: {  	p0 =	seq.s32 s5, $0x0;
	s5 =	sld [smem:$0x3FB4]  }
0x2b: {  	s6 =	sld [smem:$0x3FB5]  }
0x2c: {  	s7 =	sld [smem:$0x3FB6]  }
0x2d: {  	s3 =	simm.s32 $0x108;
	s8 =	sld [smem:$0x3FB7]  }
0x2e: {  	s3 =	simm.s32 @!p0 $0x1082;
	s9 =	sld [smem:$0x3FB8]  }
0x2f: {  	lr =	sadd.s32 s0, s3;
	s0 =	sld [smem:$0x3FAF]  }
0x30: {  	s3 =	sld [smem:$0x3FB2]  }
0x31: {  	[smem:$0x3FBB] =	sst s10  }
0x32: {  	s10 =	sld [smem:$0x3FB9];
	_ =	sdelay $0x3  }
0x33: {  	p0 =	seq.s32 s10, $0x1;
	s10 =	sld [smem:$0x3FBB];
	_ =	sdelay $0x3  }
0x34: {  	[smem:$0x3FBB] =	sst s10  }
0x35: {  	s10 =	sld [smem:$0x3FBA];
	_ =	sdelay $0x3  }
0x36: {  	p1 =	seq.s32 s10, $0x1;
	s10 =	sld [smem:$0x3FBB];
	_ =	sdelay $0x3  }
0x37: {  	[smem:$0x3FBB] =	sst s10  }
0x38: {  	s10 =	sld [smem:$0x3FBC]  }
0x39: {  	_ = 	snop;
	(pc) =	sbr.ind lr, $3  }
0x3a: {  	_ = 	snop  }
0x3b: {  	_ = 	snop  }
0x3c: {  	p2 =	seq.s32 s10, $0x1;
	s10 =	sld [smem:$0x3FBB]  }
0x3d: {  	_ =	shalt  }
0x3e: {  	_ =	shalt  }
0x3f: {  	_ =	shalt  }
0x40: {  	_ =	shalt  }
0x41: {  	_ =	shalt  }
0x42: {  	_ =	shalt  }
0x43: {  	_ =	shalt  }
0x44: {  	_ =	shalt  }
0x45: {  	_ =	shalt  }
0x46: {  	_ =	shalt  }
0x47: {  	_ =	shalt  }
0x48: {  	_ =	shalt  }
0x49: {  	_ =	shalt  }
0x4a: {  	_ =	shalt  }
0x4b: {  	_ =	shalt  }
0x4c: {  	_ =	shalt  }
0x4d: {  	_ =	shalt  }
0x4e: {  	_ =	shalt  }
0x4f: {  	_ =	shalt  }
0x50: {  	_ =	shalt  }
0x51: {  	_ =	shalt  }
0x52: {  	_ =	shalt  }
0x53: {  	_ =	shalt  }
0x54: {  	_ =	shalt  }
0x55: {  	_ =	shalt  }
0x56: {  	_ =	shalt  }
0x57: {  	_ =	shalt  }
0x58: {  	_ =	shalt  }
0x59: {  	_ =	shalt  }
0x5a: {  	_ =	shalt  }
0x5b: {  	_ =	shalt  }
0x5c: {  	_ =	shalt  }
0x5d: {  	_ =	shalt  }
0x5e: {  	_ =	shalt  }
0x5f: {  	_ =	shalt  }
0x60: {  	_ =	shalt  }
0x61: {  	_ =	shalt  }
0x62: {  	_ =	shalt  }
0x63: {  	_ =	shalt  }
0x64: {  	_ =	shalt  }
0x65: {  	_ =	shalt  }
0x66: {  	_ =	shalt  }
0x67: {  	_ =	shalt  }
0x68: {  	_ =	shalt  }
0x69: {  	_ =	shalt  }
0x6a: {  	_ =	shalt  }
0x6b: {  	_ =	shalt  }
0x6c: {  	_ =	shalt  }
0x6d: {  	_ =	shalt  }
0x6e: {  	_ =	shalt  }
0x6f: {  	_ =	shalt  }
0x70: {  	_ =	shalt  }
0x71: {  	_ =	shalt  }
0x72: {  	_ =	shalt  }
0x73: {  	_ =	shalt  }
0x74: {  	_ =	shalt  }
0x75: {  	_ =	shalt  }
0x76: {  	_ =	shalt  }
0x77: {  	_ =	shalt  }
0x78: {  	_ =	shalt  }
0x79: {  	_ =	shalt  }
0x7a: {  	_ =	shalt  }
0x7b: {  	_ =	shalt  }
0x7c: {  	_ =	shalt  }
0x7d: {  	_ =	shalt  }
0x7e: {  	_ =	shalt  }
0x7f: {  	_ =	shalt  }
0x80: {  	_ =	shalt  }
0x81: {  	_ =	shalt  }
0x82: {  	_ =	shalt  }
0x83: {  	_ =	shalt  }
0x84: {  	_ =	shalt  }
0x85: {  	_ =	shalt  }
0x86: {  	_ =	shalt  }
0x87: {  	_ =	shalt  }
.Lfunc_end0:
.L_simem_size_0:
called_computation_lowered:
.L_overlay_start_0:
0x88: {  	s2 =	sld [smem:$0x3FD9]  }
0x89: {  	s3 =	sld [smem:$0x3FFE];
	_ =	sdelay $0x1  }
0x8a: {  	s1 =	srdreg.scid  }
0x8b: {  	s0 =	sand.u32 $0x1, s1  }
0x8c: {  	s16 =	sshll.u32 s0, $0xA;
	s2 =	sadd.s32 s3, s2  }
0x8d: {  	s2 =	sadd.s32 s2, s16  }
0x8e: {  	[smem:$0x3FC7] =	sst s2  }
0x8f: {  	_ = 	snop  }
0x90: {  	(tm) =	ssettm $0x1  }
0x91: {  	s17 =	sld [smem:$0x3FFB];
	_ =	sdelay $0x3  }
0x92: {  	_ =	strace s17  }
0x93: {  	s2 =	sld [smem:$0x3FFC];
	_ =	sdelay $0x3  }
0x94: {  	_ =	strace s2  }
0x95: {  	s2 =	sld [smem:$0x3FFD];
	_ =	sdelay $0x3  }
0x96: {  	_ =	strace s2  }
0x97: {  	_ =	strace $0x8FFFFFFF  }
0x98: {  	s18 =	sld [smem:$0x3FDB];
	_ =	sdelay $0x1  }
0x99: {  	s19 =	simm.s32 $_scs_section_size  }
0x9a: {  	s4 =	simm.s32 $_size__tile_overlayer_lowered;
	s5 =	simm.s32 $_tile_overlayer_lowered  }
0x9b: {  	s22 =	simm.s32 $0x1BFF;
	s21 =	sshll.u32 s5, $0x1;
	s2 =	sadd.s32 s19, s18  }
0x9c: {  	s6 =	simm.s32 $0x0;
	s20 =	sshll.u32 s4, $0x1;
	s4 =	sadd.s32 s21, s2  }
0x9d: {  	[timem:s6], [sflag:s22] =	dma.local [hbm:s4], s20  }
0x9e: {  	_ =	swait.ge [sflag:s22], s20  }
0x9f: {  	s3 =	ssub.s32 $0x0, s20;
	[sflag:s22] =	ssyncset.done $0x0  }
0xa0: {  	[sflag:s22] =	ssyncadd.s32 s3;
	_ =	sdelay $0x1  }
0xa1: {  	s23 =	simm.s32 $0x1B8B  }
0xa2: {  	_ =	swait.ge [sflag:s23], $0x1  }
0xa3: {  	[sflag:s23] =	ssyncset.done $0x0  }
0xa4: {  	s25 =	simm.s32 $0x1B8E;
	s24 =	sld [smem:$0x3FFE];
	[sflag:s23] =	ssyncadd.s32 $0xFFFFFFFF  }
0xa5: {  	s26 =	simm.s32 $execute0_lowered;
	[smem:$0x3FD2] =	sst s25  }
0xa6: {  	s4 =	sshll.u32 s26, $0x1;
	_ =	strace $0x80000046;
	[dreg:$0x1] =	wrdreg $0xFFFFFFFF  }
0xa7: {  	s28 =	simm.s32 $_size_execute0_lowered;
	s2 =	sadd.s32 s2, s4;
	[dreg:$0x0] =	wrdreg $0x0  }
0xa8: {  	s4 =	sshll.u32 s28, $0x1;
	[dreg:$0x2] =	wrdreg s2  }
0xa9: {  	[dreg:$0x3] =	wrdreg s4  }
0xaa: {  	[dreg:$0x4] =	wrdreg $0xC0  }
0xab: {  	_ =	task [dreg:s6], $0x5FFFF  }
0xac: {  	[dreg:$0x1] =	wrdreg $0xFFFFFFFF  }
0xad: {  	[dreg:$0x0] =	wrdreg $0x60  }
0xae: {  	[dreg:$0x2] =	wrdreg s24  }
0xaf: {  	[dreg:$0x3] =	wrdreg $0x9  }
0xb0: {  	_ =	task.clear_ibuf [dreg:s6], $0x4FFFF;
	_ =	strace $0x90000046  }
0xb1: {  	s29 =	simm.s32 $0x9;
	_ =	strace $0x80000048  }
0xb2: {  	_ =	swait.ge [sflag:s29], $0x1  }
0xb3: {  	[sflag:s29] =	ssyncadd.s32 $0xFFFFFFFF  }
0xb4: {  	_ =	strace $0x90000048  }
0xb5: {  	_ =	sfence  }
0xb6: {  	s30 =	sld [smem:$0x0];
	_ =	sdelay $0x2  }
0xb7: {  	s31 =	sshll.u32 s1, $0xD;
	s1 =	sshrl.u32 s1, $0x2  }
0xb8: {  	s3 =	sand.u32 $0x4000, s31;
	s1 =	sadd.s32 s1, s30  }
0xb9: {  	s0 =	sor.u32 s3, s0;
	s1 =	sshll.u32 s1, $0x11  }
0xba: {  	s0 =	sor.u32 s1, s0  }
0xbb: {  	s0 =	sadd.s32 $0x8F2B, s0  }
0xbc: {  	[sflag:s0] =	ssyncadd.remote.s32 $0x1  }
0xbd: {  	_ =	sfence.sel $0xFFFF  }
0xbe: {  	[dreg:$0x0] =	wrdreg $0xFFFFFFFF;
	(pc) =	sbr.abs _section_cstart, $3  }
0xbf: {  	[dreg:$0x1] =	wrdreg $0xFFFFFFFF  }
0xc0: {  	_ =	task.clear_ibuf [dreg:s6], $0x2FFFF;
	_ =	strace $0x9FFFFFFF  }
0xc1: {  	(tm) =	ssettm $0x7FFFFFFF  }
tec
execute0_lowered:
.L_overlay_start_1:
0x0: {  	(tag) =	ssettag $0x1  }
0x1: {  	v0 =	vimm.s32 $0xBCAB9A89;
	v1 =	vimm.s32 $0xF0EFDECD;
	vm0 =	vcmask $0x1F10  }
0x2: {  	v2 =	vimm.s32 $0x78675645;
	v3 =	vimm.s32 $0xBDAC9B8A;
	v4 =	vimm.s32 $0xF1E0DFCE  }
0x3: {  	v5 =	vimm.s32 $0x35241302;
	v6 =	vimm.s32 $0x79685746;
	v7 =	vimm.s32 $0xBEAD9C8B  }
0x4: {  	v8 =	vimm.s32 $0xF2E1D0CF;
	v9 =	vimm.s32 $0x39281706;
	v10 =	vimm.s32 $0x7D6C5B4A  }
0x5: {  	v11 =	vimm.s32 $0xB2A1908F;
	v12 =	vimm.s32 $0xF6E5D4C3;
	v13 =	vimm.s32 $0x3D2C1B0A  }
0x6: {  	v14 =	vimm.s32 $0x71605F4E;
	v15 =	vimm.s32 $0xB6A59483;
	v16 =	vimm.s32 $0xFAE9D8C7  }
0x7: {  	v18 =	vimm.s32 $0xBAA99887;
	v19 =	vimm.s32 $0xFEEDDCCB;
	v20 =	vimm.s32 $0x3221100F  }
0x8: {  	v21 =	vimm.s32 $0x76655443;
	v0 =	vunpack.c.0.s8.s32 v0;
	v1 =	vunpack.c.0.s8.s32 v1  }
0x9: {  	v2 =	vunpack.c.0.s8.s32 v2;
	v3 =	vunpack.c.0.s8.s32 v3;
	v4 =	vunpack.c.0.s8.s32 v4  }
0xa: {  	v5 =	vunpack.c.0.s8.s32 v5;
	v6 =	vunpack.c.0.s8.s32 v6;
	v7 =	vunpack.c.0.s8.s32 v7  }
0xb: {  	v8 =	vunpack.c.0.s8.s32 v8;
	v0 =	vsel vm0, v1, v0;
	v1 =	vimm.s32 $0x34231201  }
0xc: {  	v9 =	vunpack.c.0.s8.s32 v9;
	v10 =	vunpack.c.0.s8.s32 v10;
	v1 =	vunpack.c.0.s8.s32 v1  }
0xd: {  	v13 =	vunpack.c.0.s8.s32 v13;
	v14 =	vunpack.c.0.s8.s32 v14;
	v18 =	vunpack.c.0.s8.s32 v18  }
0xe: {  	v19 =	vunpack.c.0.s8.s32 v19;
	v20 =	vunpack.c.0.s8.s32 v20;
	v1 =	vsel vm0, v2, v1  }
0xf: {  	v2 =	vcombine.low v1, v0;
	v0 =	vsel vm0, v4, v3;
	v1 =	vsel vm0, v6, v5  }
0x10: {  	v4 =	vimm.s32 $0x7A695847;
	v5 =	vimm.s32 $0xBFAE9D8C;
	v6 =	vimm.s32 $0xF3E2D1C0  }
0x11: {  	v3 =	vcombine.low v1, v0;
	v0 =	vsel vm0, v8, v7;
	v1 =	vimm.s32 $0x36251403  }
0x12: {  	v4 =	vunpack.c.0.s8.s32 v4;
	v5 =	vunpack.c.0.s8.s32 v5;
	v1 =	vunpack.c.0.s8.s32 v1  }
0x13: {  	v6 =	vunpack.c.0.s8.s32 v6;
	v7 =	vimm.s32 $0x37261504;
	v8 =	vimm.s32 $0x7B6A5948  }
0x14: {  	v1 =	vsel vm0, v4, v1;
	v4 =	vunpack.c.0.s8.s32 v7;
	v7 =	vunpack.c.0.s8.s32 v8  }
0x15: {  	v5 =	vsel vm0, v6, v5;
	v6 =	vimm.s32 $0xB0AF9E8D;
	v8 =	vimm.s32 $0xF4E3D2C1  }
0x16: {  	v6 =	vunpack.c.0.s8.s32 v6;
	v4 =	vsel vm0, v7, v4;
	v7 =	vunpack.c.0.s8.s32 v8  }
0x17: {  	v21 =	vunpack.c.0.s8.s32 v21;
	v0 =	vcombine.low v1, v0;
	v1 =	vcombine.low v4, v5  }
0x18: {  	v5 =	vimm.s32 $0x38271605;
	v4 =	vsel vm0, v7, v6;
	v6 =	vimm.s32 $0x7C6B5A49  }
0x19: {  	v2 =	vand.u32 $0xFF, v2;
	v5 =	vunpack.c.0.s8.s32 v5;
	v6 =	vunpack.c.0.s8.s32 v6  }
0x1a: {  	v3 =	vand.u32 $0xFF, v3;
	v8 =	vimm.s32 $0xF5E4D3C2;
	v7 =	vimm.s32 $0xB1A09F8E  }
0x1b: {  	v8 =	vunpack.c.0.s8.s32 v8;
	v7 =	vunpack.c.0.s8.s32 v7;
	v5 =	vsel vm0, v6, v5  }
0x1c: {  	v6 =	vunpack.c.0.s8.s32 v11;
	v11 =	vunpack.c.0.s8.s32 v12;
	v12 =	vimm.s32 $0x7F6E5D4C  }
0x1d: {  	v5 =	vcombine.low v5, v4;
	v4 =	vsel vm0, v8, v7;
	v7 =	vsel vm0, v10, v9  }
0x1e: {  	v8 =	vimm.s32 $0x7E6D5C4B;
	v9 =	vimm.s32 $0xB3A29180;
	v10 =	vimm.s32 $0xF7E6D5C4  }
0x1f: {  	v4 =	vcombine.low v7, v4;
	v6 =	vsel vm0, v11, v6;
	v7 =	vimm.s32 $0x3A291807  }
0x20: {  	v8 =	vunpack.c.0.s8.s32 v8;
	v9 =	vunpack.c.0.s8.s32 v9;
	v7 =	vunpack.c.0.s8.s32 v7  }
0x21: {  	v10 =	vunpack.c.0.s8.s32 v10;
	v11 =	vimm.s32 $0x3B2A1908;
	v5 =	vand.u32 $0xFF, v5  }
0x22: {  	v7 =	vsel vm0, v8, v7;
	v8 =	vunpack.c.0.s8.s32 v11;
	v11 =	vunpack.c.0.s8.s32 v12  }
0x23: {  	v9 =	vsel vm0, v10, v9;
	v10 =	vimm.s32 $0xB4A39281;
	v12 =	vimm.s32 $0xF8E7D6C5  }
0x24: {  	v10 =	vunpack.c.0.s8.s32 v10;
	v8 =	vsel vm0, v11, v8;
	v11 =	vunpack.c.0.s8.s32 v12  }
0x25: {  	v6 =	vcombine.low v7, v6;
	v12 =	vimm.s32 $0xF9E8D7C6;
	v7 =	vcombine.low v8, v9  }
0x26: {  	v9 =	vimm.s32 $0x3C2B1A09;
	v8 =	vsel vm0, v11, v10;
	v10 =	vimm.s32 $0x706F5E4D  }
0x27: {  	v9 =	vunpack.c.0.s8.s32 v9;
	v11 =	vimm.s32 $0xB5A49382;
	v10 =	vunpack.c.0.s8.s32 v10  }
0x28: {  	v12 =	vunpack.c.0.s8.s32 v12;
	v11 =	vunpack.c.0.s8.s32 v11;
	v25 =	vand.u32 $0xFF, v7  }
0x29: {  	v9 =	vsel vm0, v10, v9;
	v10 =	vunpack.c.0.s8.s32 v15;
	v15 =	vunpack.c.0.s8.s32 v16  }
0x2a: {  	v16 =	vcombine.low v9, v8;
	v8 =	vsel vm0, v12, v11;
	v9 =	vsel vm0, v14, v13  }
0x2b: {  	v12 =	vimm.s32 $0xB7A69584;
	v13 =	vimm.s32 $0xFBEAD9C8;
	v11 =	vcombine.low v9, v8  }
0x2c: {  	v8 =	vsel vm0, v15, v10;
	v9 =	vimm.s32 $0x3E2D1C0B;
	v10 =	vimm.s32 $0x7261504F  }
0x2d: {  	v14 =	vimm.s32 $0x3F2E1D0C;
	v9 =	vunpack.c.0.s8.s32 v9;
	v10 =	vunpack.c.0.s8.s32 v10  }
0x2e: {  	v12 =	vunpack.c.0.s8.s32 v12;
	v13 =	vunpack.c.0.s8.s32 v13;
	v15 =	vimm.s32 $0x73625140  }
0x2f: {  	v9 =	vsel vm0, v10, v9;
	v10 =	vunpack.c.0.s8.s32 v14;
	v14 =	vunpack.c.0.s8.s32 v15  }
0x30: {  	v15 =	vcombine.low v9, v8;
	v8 =	vsel vm0, v13, v12;
	v9 =	vimm.s32 $0xB8A79685  }
0x31: {  	s3 =	rddreg [dreg:$0x0];
	s1 =	simm.s32 $0x0;
	v12 =	vimm.s32 $0xFCEBDAC9;
	v13 =	vimm.s32 $0x302F1E0D;
	v10 =	vsel vm0, v14, v10  }
0x32: {  	[smem:$0x7FF] =	sst s1;
	v9 =	vunpack.c.0.s8.s32 v9;
	v12 =	vunpack.c.0.s8.s32 v12;
	v14 =	vimm.s32 $0x74635241  }
0x33: {  	s0 =	rddreg [dreg:$0x1];
	_ =	strace $0x80000047;
	[tilespmem:$0x1FF00] =	vst v2;
	v17 =	vcombine.low v10, v8;
	v8 =	vunpack.c.0.s8.s32 v13;
	v10 =	vunpack.c.0.s8.s32 v14  }
0x34: {  	[tilespmem:$0x1FF10] =	vst v3;
	v16 =	vand.u32 $0xFF, v16;
	v13 =	vimm.s32 $0xFDECDBCA;
	v14 =	vimm.s32 $0x75645342  }
0x35: {  	[tilespmem:$0x1FF20] =	vst v5;
	v9 =	vsel vm0, v12, v9;
	v12 =	vimm.s32 $0xB9A89786;
	v8 =	vsel vm0, v10, v8  }
0x36: {  	[tilespmem:$0x1FF40] =	vst v25;
	v10 =	vunpack.c.0.s8.s32 v12;
	v12 =	vunpack.c.0.s8.s32 v13;
	v13 =	vimm.s32 $0x31201F0E  }
0x37: {  	s4 =	srdreg.scid;
	s2 =	stileid.u32;
	v11 =	vand.u32 $0xFF, v11;
	[tilespmem:$0x1FF80] =	vst v16;
	v14 =	vunpack.c.0.s8.s32 v14;
	v13 =	vunpack.c.0.s8.s32 v13  }
0x38: {  	s14 =	simm.s32 $0x8400;
	s15 =	simm.s32 $0x100;
	s16 =	simm.s32 $0x1000;
	[tilespmem:$0x1FF50] =	vst v11;
	v22 =	vcombine.low v8, v9;
	v8 =	vlaneseq.u32;
	v9 =	vand.u32 $0xFF, v0  }
0x39: {  	s17 =	simm.s32 $0x1;
	s18 =	simm.s32 $0x0;
	s4 =	sand.u32 $0x1, s4;
	v12 =	vsel vm0, v12, v10;
	v10 =	vand.u32 $0xFF, v1;
	[tilespmem:$0x1FFD0] =	vst v9;
	v13 =	vsel vm0, v14, v13  }
0x3a: {  	s5 =	sadd.s32 $0xC00, s3;
	s7 =	sshll.u32 s2, $0xC;
	s6 =	smul.u32 $0x888C0, s4;
	v14 =	vsel vm0, v19, v18;
	v18 =	vsel vm0, v21, v20;
	v21 =	vand.u32 $0xFF, v6;
	[tilespmem:$0x1FFE0] =	vst v10  }
0x3b: {  	s8 =	sshll.u32 s2, $0x5;
	p0 =	seq.s32 s2, $0xF;
	s9 =	ssub.s32 $0x2, s4;
	v8 =	vmul.u32 $0x11, v8;
	v19 =	vand.u32 $0xFF, v4;
	[tilespmem:$0x1FF30] =	vst v21  }
0x3c: {  	s8 =	sadd.s32 s8, s3;
	s30 =	sshll.u32 s4, $0xC;
	s7 =	sadd.s32 s6, s7;
	[tilespmem:$0x1FFC0] =	vst v19  }
0x3d: {  	s28 =	sshrl.u32 s9, $0x1;
	s6 =	sshrl.u32 s6, $0x3;
	s29 =	sshrl.u32 s7, $0x3;
	v0 =	vcombine.low v13, v12;
	v13 =	vand.u32 $0xFF, v17;
	[tilespmem:$0x1FFF0] =	vst v8  }
0x3e: {  	s9 =	ssub.s32 s9, s28;
	s3 =	sadd.s32 s5, s29;
	s5 =	sadd.s32 s5, s6;
	v12 =	vand.u32 $0xFF, v15;
	[tilespmem:$0x1FF60] =	vst v13  }
0x3f: {  	s31 =	sadd.s32 s30, s8;
	s6 =	smax.u32 s9, $0x1;
	s4 =	sadd.s32 $0x2020, s5;
	v1 =	vcombine.low v18, v14;
	v14 =	vand.u32 $0xFF, v22;
	[tilespmem:$0x1FF90] =	vst v12  }
0x40: {  	s3 =	sadd.s32 $0x220, s3;
	s5 =	sadd.s32 $0x23000, s31;
	s7 =	sadd.s32 @p0 $0x2223, s4;
	[tilespmem:$0x1FFA0] =	vst v14;
	v15 =	vand.u32 $0xFF, v0  }
0x41: {  	s8 =	sadd.s32 @p0 $0x4446, s4;
	s9 =	sadd.s32 @p0 $0x6669, s4;
	s10 =	sadd.s32 @p0 $0x888C, s4;
	v28 =	vand.u32 $0xFF, v1;
	[tilespmem:$0x1FF70] =	vst v15  }
0x42: {  	s11 =	sadd.s32 @p0 $0xAAAF, s4;
	s12 =	sadd.s32 @p0 $0xCCD2, s4;
	s13 =	sadd.s32 @p0 $0xEEF5, s4;
	[tilespmem:$0x1FFB0] =	vst v28  }
.LBB2_1:
0x43: {  	s21 =	simm.s32 @p0 $0x0  }
0x44: {  	[tilespmem:s21], [sflag:$0x1] =	stream.linear.gather @p0 [hbm4b:s4+s21], $0x1000, $0x38;
	[tilespmem:$0x8C00] =	vst v63  }
0x45: {  	s19 =	simm.s32 @p0 $0x1080  }
0x46: {  	[tilespmem:s19], [sflag:$0x1] =	stream.linear.gather @p0 [hbm4b:s7+s21], $0x1000, $0x38;
	[tilespmem:$0x8C00] =	vst v63  }
0x47: {  	s19 =	simm.s32 @p0 $0x2100  }
0x48: {  	[tilespmem:s19], [sflag:$0x1] =	stream.linear.gather @p0 [hbm4b:s8+s21], $0x1000, $0x38;
	[tilespmem:$0x8C00] =	vst v63  }
0x49: {  	s30 =	simm.s32 $0x0;
	s19 =	simm.s32 @p0 $0x3180  }
0x4a: {  	[tilespmem:s19], [sflag:$0x1] =	stream.linear.gather @p0 [hbm4b:s9+s21], $0x1000, $0x38;
	[tilespmem:$0x8C00] =	vst v63  }
0x4b: {  	s19 =	sand.u32 $0xE, s30  }
0x4c: {  	s20 =	sor.u32 $0x1, s19  }
0x4d: {  	s22 =	simm.s32 $0x0;
	s23 =	sshll.u32 s20, $0x8  }
0x4e: {  	v0 =	vmov s22;
	s31 =	sor.u32 $0x11, s23  }
0x4f: {  	s24 =	simm.s32 @p0 $0x4200;
	v53 =	vmov v2;
	v17 =	vmul.u32 $0x1080, v0;
	[tilespmem:$0x1FEC0] =	vst v0;
	v0 =	vadd.s32 s31, v8  }
0x50: {  	v54 =	vmovc v3;
	v6 =	vmovc v5;
	[tilespmem:s24], [sflag:$0x1] =	stream.linear.gather @p0 [hbm4b:s10+s21], $0x1000, $0x38;
	v1 =	vadd.s32 s31, v2;
	v2 =	vadd.s32 s31, v3;
	v3 =	vadd.s32 s31, v9;
	[tilespmem:$0x8C00] =	vst v63  }
0x51: {  	v45 =	vmovc v6;
	s23 =	simm.s32 @p0 $0x5280;
	v4 =	vadd.s32 s31, v10;
	v5 =	vadd.s32 s31, v5;
	v6 =	vadd.s32 s31, v19  }
0x52: {  	[tilespmem:s23], [sflag:$0x1] =	stream.linear.gather @p0 [hbm4b:s11+s21], $0x1000, $0x38;
	v7 =	vadd.s32 s31, v21;
	v18 =	vadd.s32 s31, v25;
	v20 =	vadd.s32 s31, v16;
	[tilespmem:$0x8C00] =	vst v63  }
0x53: {  	v47 =	vmovc v21;
	v48 =	vmovc v25;
	s23 =	simm.s32 @p0 $0x6300;
	v21 =	vadd.s32 s31, v11;
	v22 =	vadd.s32 s31, v12;
	v23 =	vadd.s32 s31, v13  }
0x54: {  	v43 =	vmovc v13;
	v24 =	vadd.s32 s31, v14;
	v25 =	vadd.s32 s31, v15;
	v13 =	vmovc v28;
	v28 =	vadd.s32 s31, v28;
	[tilespmem:s23], [sflag:$0x1] =	stream.linear.gather @p0 [hbm4b:s12+s21], $0x1000, $0x38;
	[tilespmem:$0x8C00] =	vst v63  }
0x55: {  	v26 =	vand.u32 $0x7, v0;
	v27 =	vand.u32 $0x7, v1;
	v29 =	vand.u32 $0x7, v2;
	s23 =	simm.s32 @p0 $0x7380  }
0x56: {  	v30 =	vand.u32 $0x7, v3;
	v31 =	vand.u32 $0x7, v4;
	v32 =	vand.u32 $0x7, v5;
	[tilespmem:s23], [sflag:$0x1] =	stream.linear.gather @p0 [hbm4b:s13+s21], $0x1000, $0x38;
	[tilespmem:$0x8C00] =	vst v63  }
0x57: {  	v33 =	vand.u32 $0x7, v6;
	v34 =	vand.u32 $0x7, v7;
	v35 =	vand.u32 $0x7, v18;
	s21 =	simm.s32 @p0 $0x1  }
0x58: {  	v36 =	vand.u32 $0x7, v20;
	v37 =	vand.u32 $0x7, v21;
	v38 =	vand.u32 $0x7, v22;
	_ =	swait.ge @p0 [sflag:s21], $0x8000  }
0x59: {  	s22 =	simm.s32 @!p0 $0x11118;
	v39 =	vand.u32 $0x7, v23;
	v40 =	vand.u32 $0x7, v24;
	v0 =	vand.u32 $0x7FFFFFF8, v0;
	[sflag:s21] =	ssyncset.done @p0 $0x0  }
0x5a: {  	v41 =	vand.u32 $0x7, v25;
	v1 =	vand.u32 $0x7FFFFFF8, v1;
	v0 =	vadd.s32 v17, v0;
	s23 =	simm.s32 @!p0 $0x0;
	[sflag:s21] =	ssyncadd.s32 @p0 $0xFFFF8000;
	s21 =	simm.s32 @!p0 $0x1080  }
0x5b: {  	v2 =	vand.u32 $0x7FFFFFF8, v2;
	v1 =	vadd.s32 v17, v1;
	v0 =	vor.u32 v26, v0;
	[tilespmem:s23], [sflag:$0x1] =	stream.strided.gather @!p0 [hbm4b:s3+s21], $0x8400, s22, s21, $0x38;
	[tilespmem:$0x8C00] =	vst v63  }
0x5c: {  	v3 =	vand.u32 $0x7FFFFFF8, v3;
	v2 =	vadd.s32 v17, v2;
	v1 =	vor.u32 v27, v1;
	s21 =	simm.s32 @!p0 $0x1  }
0x5d: {  	v4 =	vand.u32 $0x7FFFFFF8, v4;
	v3 =	vadd.s32 v17, v3;
	v2 =	vor.u32 v29, v2;
	_ =	swait.ge @!p0 [sflag:s21], $0x8400  }
0x5e: {  	v5 =	vand.u32 $0x7FFFFFF8, v5;
	v4 =	vadd.s32 v17, v4;
	v3 =	vor.u32 v30, v3;
	[sflag:s21] =	ssyncset.done @!p0 $0x0  }
0x5f: {  	v6 =	vand.u32 $0x7FFFFFF8, v6;
	v5 =	vadd.s32 v17, v5;
	v4 =	vor.u32 v31, v4;
	[sflag:s21] =	ssyncadd.s32 @!p0 $0xFFFF7C00  }
0x60: {  	v7 =	vand.u32 $0x7FFFFFF8, v7;
	v6 =	vadd.s32 v17, v6;
	v5 =	vor.u32 v32, v5;
	v0 =	vld.idx.msk [tilespmem:v0+s1+$0x0], $0xffff  }
0x61: {  	v18 =	vand.u32 $0x7FFFFFF8, v18;
	v7 =	vadd.s32 v17, v7;
	v6 =	vor.u32 v33, v6;
	v1 =	vld.idx.msk [tilespmem:v1+s1+$0x0], $0xffff  }
0x62: {  	v20 =	vand.u32 $0x7FFFFFF8, v20;
	v18 =	vadd.s32 v17, v18;
	v7 =	vor.u32 v34, v7;
	v2 =	vld.idx.msk [tilespmem:v2+s1+$0x0], $0xffff  }
0x63: {  	v21 =	vand.u32 $0x7FFFFFF8, v21;
	v20 =	vadd.s32 v17, v20;
	v18 =	vor.u32 v35, v18;
	v3 =	vld.idx.msk [tilespmem:v3+s1+$0x0], $0xffff  }
0x64: {  	v22 =	vand.u32 $0x7FFFFFF8, v22;
	v21 =	vadd.s32 v17, v21;
	v20 =	vor.u32 v36, v20;
	v4 =	vld.idx.msk [tilespmem:v4+s1+$0x0], $0xffff  }
0x65: {  	v23 =	vand.u32 $0x7FFFFFF8, v23;
	v22 =	vadd.s32 v17, v22;
	v21 =	vor.u32 v37, v21;
	v5 =	vld.idx.msk [tilespmem:v5+s1+$0x0], $0xffff  }
0x66: {  	v24 =	vand.u32 $0x7FFFFFF8, v24;
	v23 =	vadd.s32 v17, v23;
	v22 =	vor.u32 v38, v22;
	v6 =	vld.idx.msk [tilespmem:v6+s1+$0x0], $0xffff  }
0x67: {  	v25 =	vand.u32 $0x7FFFFFF8, v25;
	v24 =	vadd.s32 v17, v24;
	v23 =	vor.u32 v39, v23;
	v7 =	vld.idx.msk [tilespmem:v7+s1+$0x0], $0xffff  }
0x68: {  	v25 =	vadd.s32 v17, v25;
	v24 =	vor.u32 v40, v24;
	v26 =	vand.u32 $0x7FFFFFF8, v28;
	v18 =	vld.idx.msk [tilespmem:v18+s1+$0x0], $0xffff  }
0x69: {  	v25 =	vor.u32 v41, v25;
	v27 =	vand.u32 $0x7, v28;
	v26 =	vadd.s32 v17, v26;
	v20 =	vld.idx.msk [tilespmem:v20+s1+$0x0], $0xffff  }
0x6a: {  	v26 =	vor.u32 v27, v26;
	v21 =	vld.idx.msk [tilespmem:v21+s1+$0x0], $0xffff  }
0x6b: {  	v27 =	vld.idx.msk [tilespmem:v22+s1+$0x0], $0xffff  }
0x6c: {  	v23 =	vld.idx.msk [tilespmem:v23+s1+$0x0], $0xffff  }
0x6d: {  	v24 =	vld.idx.msk [tilespmem:v24+s1+$0x0], $0xffff  }
0x6e: {  	v25 =	vld.idx.msk [tilespmem:v25+s1+$0x0], $0xffff  }
0x6f: {  	s22 =	sshll.u32 s19, $0x8;
	v26 =	vld.idx.msk [tilespmem:v26+s1+$0x0], $0xffff  }
0x70: {  	v44 =	vmov v16;
	v46 =	vmov v14;
	v16 =	vmov v15;
	s21 =	sor.u32 $0x11, s22  }
0x71: {  	v32 =	vadd.s32 s21, v43;
	v33 =	vadd.s32 s21, v46;
	v36 =	vadd.s32 s21, v16  }
0x72: {  	v22 =	vmax.f32 v0, v1;
	v28 =	vmax.f32 v2, v3;
	v29 =	vmax.f32 v4, v5  }
0x73: {  	v30 =	vmax.f32 v6, v7;
	v31 =	vmax.f32 v18, v20;
	v60 =	vmax.f32 v21, v27  }
0x74: {  	v61 =	vmax.f32 v23, v24;
	v62 =	vmax.f32 v25, v26;
	v22 =	vmax.f32 v22, v28  }
0x75: {  	v28 =	vmax.f32 v29, v30;
	v29 =	vmax.f32 v31, v60;
	v30 =	vmax.f32 v61, v62  }
0x76: {  	v42 =	vmovc v11;
	v11 =	vmovc v12;
	v37 =	vadd.s32 s21, v13;
	v22 =	vmax.f32 v22, v28;
	v28 =	vmax.f32 v29, v30  }
0x77: {  	v31 =	vadd.s32 s21, v11;
	v29 =	vadd.s32 s21, v53;
	v14 =	vmax.f32 v22, v28  }
0x78: {  	v52 =	vand.u32 $0xFF8, v31;
	v28 =	vadd.s32 s21, v8;
	v0 =	vsub.f32 v0, v14  }
0x79: {  	v39 =	vand.u32 $0xFF8, v29;
	v29 =	vand.u32 $0x7, v29;
	v1 =	vsub.f32 v1, v14  }
0x7a: {  	v2 =	vsub.f32 v2, v14;
	v3 =	vsub.f32 v3, v14;
	v0 =	vmul.f32 $1.442695020e+00, v0  }
0x7b: {  	v4 =	vsub.f32 v4, v14;
	v35 =	vand.u32 $0xFF8, v28;
	v1 =	vmul.f32 $1.442695020e+00, v1  }
0x7c: {  	v28 =	vand.u32 $0x7, v28;
	v2 =	vmul.f32 $1.442695020e+00, v2;
	(erf) = vpow2.f32 v0  }
0x7d: {  	v0 =	vmul.f32 $1.442695020e+00, v3;
	v3 =	vsub.f32 v5, v14;
	(erf) = vpow2.f32 v1  }
0x7e: {  	v1 =	vmul.f32 $1.442695020e+00, v4;
	v4 =	vsub.f32 v6, v14;
	(erf) = vpow2.f32 v2  }
0x7f: {  	v2 =	vmul.f32 $1.442695020e+00, v3;
	v3 =	vsub.f32 v7, v14;
	(erf) = vpow2.f32 v0  }
0x80: {  	v0 =	vmul.f32 $1.442695020e+00, v4;
	v4 =	vsub.f32 v18, v14;
	(erf) = vpow2.f32 v1  }
0x81: {  	v1 =	vmul.f32 $1.442695020e+00, v3;
	v3 =	vsub.f32 v20, v14;
	(erf) = vpow2.f32 v2  }
0x82: {  	v2 =	vmul.f32 $1.442695020e+00, v4;
	v4 =	vsub.f32 v21, v14;
	v21 =	vadd.s32 s21, v45  }
0x83: {  	(erf) = vpow2.f32 v0;
	v0 =	vmul.f32 $1.442695020e+00, v3;
	v3 =	vsub.f32 v27, v14  }
0x84: {  	v58 =	vmovc v47;
	v22 =	vmovc v42;
	v27 =	vadd.s32 s21, v42;
	v42 =	vand.u32 $0xFF8, v33;
	(erf) = vpow2.f32 v1  }
0x85: {  	v59 =	vmovc v48;
	v57 =	vmovc v46;
	v1 =	vmul.f32 $1.442695020e+00, v4;
	v4 =	vsub.f32 v23, v14;
	v51 =	vand.u32 $0xFF8, v27  }
0x86: {  	v12 =	vmovc v45;
	v15 =	vmovc v44;
	v27 =	vand.u32 $0x7, v27;
	(erf) = vpow2.f32 v2;
	v2 =	vmul.f32 $1.442695020e+00, v3  }
0x87: {  	v3 =	vsub.f32 v24, v14;
	v24 =	vadd.s32 s21, v47;
	v5 =	vpop (erf);
	(erf) = vpow2.f32 v0  }
0x88: {  	v0 =	vmul.f32 $1.442695020e+00, v4;
	v4 =	vsub.f32 v25, v14;
	v6 =	vpop (erf);
	(erf) = vpow2.f32 v1  }
0x89: {  	v1 =	vmul.f32 $1.442695020e+00, v3;
	v3 =	vsub.f32 v26, v14;
	v7 =	vpop (erf);
	(erf) = vpow2.f32 v2  }
0x8a: {  	v47 =	vand.u32 $0xFF8, v24;
	v4 =	vmul.f32 $1.442695020e+00, v4;
	v18 =	vpop (erf);
	(erf) = vpow2.f32 v0  }
0x8b: {  	v24 =	vand.u32 $0x7, v24;
	v3 =	vmul.f32 $1.442695020e+00, v3;
	v20 =	vpop (erf);
	(erf) = vpow2.f32 v1  }
0x8c: {  	[tilespmem:$0x1FD50] =	vst v14;
	v26 =	vadd.s32 s21, v44;
	v14 =	vmov v43;
	v23 =	vpop (erf);
	(erf) = vpow2.f32 v4  }
0x8d: {  	v44 =	vand.u32 $0xFF8, v21;
	v21 =	vand.u32 $0x7, v21;
	v25 =	vpop (erf);
	(erf) = vpow2.f32 v3  }
0x8e: {  	v2 =	vadd.s32 s21, v54;
	v49 =	vand.u32 $0xFF8, v26;
	v5 =	vadd.f32 v6, v5;
	v30 =	vpop (erf)  }
0x8f: {  	v0 =	vadd.s32 s21, v9;
	v60 =	vand.u32 $0xFF8, v2;
	v2 =	vand.u32 $0x7, v2;
	v34 =	vpop (erf)  }
0x90: {  	v1 =	vadd.s32 s21, v10;
	v41 =	vand.u32 $0xFF8, v0;
	v6 =	vadd.f32 v18, v7;
	v63 =	vpop (erf)  }
0x91: {  	v60 =	vadd.s32 v17, v60;
	v0 =	vand.u32 $0x7, v0;
	v4 =	vadd.s32 s21, v19;
	v61 =	vpop (erf)  }
0x92: {  	v43 =	vand.u32 $0xFF8, v1;
	v2 =	vor.u32 v2, v60;
	v1 =	vand.u32 $0x7, v1;
	v62 =	vpop (erf)  }
0x93: {  	s23 =	simm.s32 $0x2;
	v3 =	vadd.s32 s21, v48;
	v45 =	vand.u32 $0xFF8, v4;
	v18 =	vadd.f32 v23, v20;
	v50 =	vpop (erf)  }
0x94: {  	v5 =	vadd.f32 v6, v5;
	v4 =	vand.u32 $0x7, v4;
	s21 =	sand.u32 $0xE, s23;
	v20 =	vadd.f32 v30, v25;
	v7 =	vpop (erf)  }
0x95: {  	v48 =	vand.u32 $0xFF8, v3;
	v3 =	vand.u32 $0x7, v3;
	s22 =	sor.u32 $0x1, s21;
	v30 =	vadd.f32 v63, v34;
	v23 =	vpop (erf)  }
0x96: {  	v25 =	vand.u32 $0xFF8, v32;
	s25 =	sshll.u32 s22, $0x8;
	v6 =	vadd.f32 v20, v18;
	v63 =	vadd.f32 v62, v61;
	v46 =	vpop (erf)  }
0x97: {  	v25 =	vadd.s32 v17, v25;
	s26 =	sor.u32 $0x11, s25;
	v7 =	vadd.f32 v7, v50;
	v23 =	vadd.f32 v46, v23  }
0x98: {  	v20 =	vadd.s32 v17, v35;
	v34 =	vadd.s32 s26, v53;
	v35 =	vadd.s32 s26, v54  }
0x99: {  	v38 =	vadd.s32 s26, v12;
	v18 =	vadd.f32 v63, v30;
	v7 =	vadd.f32 v23, v7  }
0x9a: {  	v40 =	vadd.s32 s26, v58;
	v20 =	vor.u32 v28, v20;
	v61 =	vadd.s32 v17, v41  }
0x9b: {  	v5 =	vadd.f32 v6, v5;
	v62 =	vadd.s32 v17, v44;
	v6 =	vadd.f32 v7, v18  }
0x9c: {  	v41 =	vadd.s32 s26, v59;
	v44 =	vadd.s32 s26, v11;
	v0 =	vor.u32 v0, v61  }
0x9d: {  	v56 =	vmovc v13;
	v21 =	vor.u32 v21, v62;
	v60 =	vand.u32 $0x7, v44;
	v13 =	vadd.f32 v6, v5  }
0x9e: {  	v44 =	vand.u32 $0x7FFFFFF8, v44;
	v50 =	vand.u32 $0xFF8, v36;
	v30 =	vadd.s32 v17, v39  }
0x9f: {  	v63 =	vadd.s32 v17, v45;
	v45 =	vadd.s32 v17, v47;
	v28 =	vand.u32 $0x7FFFFF, v13  }
0xa0: {  	v47 =	vadd.s32 v17, v42;
	v39 =	vadd.s32 s26, v19;
	v28 =	vor.u32 $0x3F800000, v28  }
0xa1: {  	v42 =	vadd.s32 s26, v15;
	v29 =	vor.u32 v29, v30;
	v28 =	vadd.f32 $-1.000000000e+00, v28  }
0xa2: {  	v30 =	vadd.s32 v17, v52;
	v4 =	vor.u32 v4, v63;
	v7 =	vadd.s32 v17, v43  }
0xa3: {  	v24 =	vor.u32 v24, v45;
	v1 =	vor.u32 v1, v7;
	v7 =	vmul.f32 $5.486285310e-02, v28  }
0xa4: {  	v45 =	vadd.s32 s26, v14;
	v46 =	vadd.s32 v17, v48;
	v48 =	vld.idx.msk [tilespmem:v2+s1+$0x0], $0xffff;
	v2 =	vand.u32 $0x7, v26  }
0xa5: {  	v61 =	vand.u32 $0x7, v45;
	v45 =	vand.u32 $0x7FFFFFF8, v45;
	v7 =	vsub.f32 $2.164104430e-01, v7  }
0xa6: {  	v20 =	vld.idx.msk [tilespmem:v20+s1+$0x0], $0xffff;
	v3 =	vor.u32 v3, v46;
	v46 =	vadd.s32 s26, v57;
	v57 =	vand.u32 $0x7, v41  }
0xa7: {  	v26 =	vld.idx.msk [tilespmem:v0+s1+$0x0], $0xffff;
	v5 =	vadd.s32 v17, v49;
	v6 =	vadd.s32 v17, v51;
	v0 =	vmul.f32 v7, v28  }
0xa8: {  	v23 =	vand.u32 $0xFF8, v37;
	v2 =	vor.u32 v2, v5;
	v6 =	vor.u32 v27, v6;
	v27 =	vld.idx.msk [tilespmem:v4+s1+$0x0], $0xffff  }
0xa9: {  	v4 =	vand.u32 $0x7, v33;
	v5 =	vld.idx.msk [tilespmem:v1+s1+$0x0], $0xffff;
	v1 =	vand.u32 $0x7, v31;
	v0 =	vadd.f32 $-4.640725850e-01, v0  }
0xaa: {  	v21 =	vld.idx.msk [tilespmem:v21+s1+$0x0], $0xffff;
	v4 =	vor.u32 v4, v47;
	v1 =	vor.u32 v1, v30;
	v7 =	vadd.s32 v17, v50  }
0xab: {  	v29 =	vld.idx.msk [tilespmem:v29+s1+$0x0], $0xffff;
	v17 =	vadd.s32 v17, v23;
	v23 =	vand.u32 $0x7, v32;
	v0 =	vmul.f32 v0, v28  }
0xac: {  	v41 =	vand.u32 $0x7FFFFFF8, v41;
	v24 =	vld.idx.msk [tilespmem:v24+s1+$0x0], $0xffff;
	v23 =	vor.u32 v23, v25;
	v25 =	vand.u32 $0x7, v36  }
0xad: {  	v7 =	vor.u32 v25, v7;
	v25 =	vld.idx.msk [tilespmem:v2+s1+$0x0], $0xffff;
	v2 =	vshra.s32 v13, $0x17;
	v0 =	vadd.f32 $9.954273100e-01, v0  }
0xae: {  	v62 =	vand.u32 $0x7, v46;
	v31 =	vld.idx.msk [tilespmem:v3+s1+$0x0], $0xffff;
	v30 =	vand.u32 $0x7, v37;
	[tilespmem:$0x1FCC0] =	vst v13;
	v2 =	vadd.s32 $0xFFFFFF81, v2  }
0xaf: {  	s24 =	simm.s32 $0x0;
	s28 =	sshll.u32 s21, $0x8;
	v17 =	vor.u32 v30, v17;
	v30 =	vld.idx.msk [tilespmem:v1+s1+$0x0], $0xffff;
	v1 =	vcvt.s32.f32 v2;
	v0 =	vmul.f32 v0, v28  }
0xb0: {  	s23 =	sor.u32 $0x11, s28;
	v46 =	vand.u32 $0x7FFFFFF8, v46;
	v18 =	vmov s24;
	v43 =	vadd.s32 s26, v22;
	v2 =	vld.idx.msk [tilespmem:v4+s1+$0x0], $0xffff  }
0xb1: {  	v22 =	vadd.s32 s23, v10;
	v3 =	vld.idx.msk [tilespmem:v23+s1+$0x0], $0xffff;
	v4 =	vmul.f32 $6.931471820e-01, v1;
	v23 =	vadd.f32 $1.415121810e-04, v0  }
0xb2: {  	v55 =	vmovc v16;
	v16 =	vmovc v59;
	v59 =	vand.u32 $0x7, v43;
	v43 =	vand.u32 $0x7FFFFFF8, v43;
	v33 =	vadd.s32 s26, v8;
	v6 =	vld.idx.msk [tilespmem:v6+s1+$0x0], $0xffff  }
0xb3: {  	v47 =	vadd.s32 s26, v55;
	v55 =	vand.u32 $0x7, v39;
	v1 =	vld.idx.msk [tilespmem:v7+s1+$0x0], $0xffff;
	v4 =	vadd.f32 v23, v4  }
0xb4: {  	v39 =	vand.u32 $0x7FFFFFF8, v39;
	v63 =	vand.u32 $0x7, v47;
	v47 =	vand.u32 $0x7FFFFFF8, v47;
	v0 =	vld.idx.msk [tilespmem:v17+s1+$0x0], $0xffff  }
0xb5: {  	v37 =	vadd.s32 s26, v10;
	v36 =	vadd.s32 s26, v9;
	v23 =	vsub.f32 $0.0e+00, v4  }
0xb6: {  	v7 =	vmax.f32 v20, v29;
	v28 =	vmax.f32 v27, v24;
	v17 =	vmax.f32 v48, v26  }
0xb7: {  	v7 =	vmax.f32 v7, v17;
	v17 =	vmax.f32 v5, v21;
	v23 =	vmul.f32 $1.442695020e+00, v23  }
0xb8: {  	v49 =	vmax.f32 v6, v30;
	v50 =	vmax.f32 v3, v2;
	v17 =	vmax.f32 v17, v28  }
0xb9: {  	v28 =	vmax.f32 v31, v25;
	v51 =	vmax.f32 v1, v0;
	(erf) = vpow2.f32 v23  }
0xba: {  	v28 =	vmax.f32 v28, v49;
	v7 =	vmax.f32 v7, v17;
	v52 =	vmax.f32 v50, v51  }
0xbb: {  	v49 =	vand.u32 $0x7, v34;
	v34 =	vand.u32 $0x7FFFFFF8, v34;
	v17 =	vmax.f32 v28, v52  }
0xbc: {  	v50 =	vadd.s32 s26, v56;
	v51 =	vand.u32 $0x7, v35;
	v17 =	vmax.f32 v7, v17  }
0xbd: {  	v56 =	vand.u32 $0x7, v40;
	v7 =	vsub.f32 v20, v17;
	v20 =	vsub.f32 v29, v17  }
0xbe: {  	v35 =	vand.u32 $0x7FFFFFF8, v35;
	v23 =	vsub.f32 v48, v17;
	v26 =	vsub.f32 v26, v17  }
0xbf: {  	v40 =	vand.u32 $0x7FFFFFF8, v40;
	v5 =	vsub.f32 v5, v17;
	v28 =	vsub.f32 v21, v17  }
0xc0: {  	v52 =	vand.u32 $0x7, v36;
	v27 =	vsub.f32 v27, v17;
	v24 =	vsub.f32 v24, v17  }
0xc1: {  	v36 =	vand.u32 $0x7FFFFFF8, v36;
	v29 =	vsub.f32 v31, v17;
	v25 =	vsub.f32 v25, v17  }
0xc2: {  	v6 =	vsub.f32 v6, v17;
	v30 =	vsub.f32 v30, v17;
	v31 =	vmul.f32 $1.442695020e+00, v23;
	v23 =	vpop (erf)  }
0xc3: {  	v32 =	vmul.f32 $1.442695020e+00, v26;
	v26 =	vmul.f32 v23, v13;
	v23 =	vmul.u32 $0x1080, v18  }
0xc4: {  	v21 =	vmovc v54;
	v48 =	vand.u32 $0x7, v33;
	v54 =	vand.u32 $0x7, v38;
	v33 =	vand.u32 $0x7FFFFFF8, v33  }
0xc5: {  	v38 =	vand.u32 $0x7FFFFFF8, v38;
	v2 =	vsub.f32 v2, v17;
	v33 =	vadd.s32 v23, v33  }
0xc6: {  	v1 =	vsub.f32 v1, v17;
	v34 =	vadd.s32 v23, v34;
	v33 =	vor.u32 v48, v33  }
0xc7: {  	[tilespmem:$0x1FED0] =	vst v18;
	v18 =	vmovc v53;
	v53 =	vand.u32 $0x7, v37;
	v35 =	vadd.s32 v23, v35;
	v34 =	vor.u32 v49, v34  }
0xc8: {  	v37 =	vand.u32 $0x7FFFFFF8, v37;
	v36 =	vadd.s32 v23, v36;
	v35 =	vor.u32 v51, v35  }
0xc9: {  	v0 =	vsub.f32 v0, v17;
	v37 =	vadd.s32 v23, v37;
	v36 =	vor.u32 v52, v36  }
0xca: {  	v7 =	vmul.f32 $1.442695020e+00, v7;
	v38 =	vadd.s32 v23, v38;
	v37 =	vor.u32 v53, v37  }
0xcb: {  	v20 =	vmul.f32 $1.442695020e+00, v20;
	v39 =	vadd.s32 v23, v39;
	v38 =	vor.u32 v54, v38;
	v33 =	vld.idx.msk [tilespmem:v33+s1+$0x0], $0xffff  }
0xcc: {  	v13 =	vmovc v58;
	v58 =	vand.u32 $0x7, v42;
	v40 =	vadd.s32 v23, v40;
	v39 =	vor.u32 v55, v39;
	v34 =	vld.idx.msk [tilespmem:v34+s1+$0x0], $0xffff  }
0xcd: {  	v42 =	vand.u32 $0x7FFFFFF8, v42;
	v41 =	vadd.s32 v23, v41;
	v40 =	vor.u32 v56, v40;
	v35 =	vld.idx.msk [tilespmem:v35+s1+$0x0], $0xffff  }
0xce: {  	v5 =	vmul.f32 $1.442695020e+00, v5;
	v42 =	vadd.s32 v23, v42;
	v41 =	vor.u32 v57, v41;
	v36 =	vld.idx.msk [tilespmem:v36+s1+$0x0], $0xffff  }
0xcf: {  	v24 =	vmul.f32 $1.442695020e+00, v24;
	v43 =	vadd.s32 v23, v43;
	v42 =	vor.u32 v58, v42;
	v37 =	vld.idx.msk [tilespmem:v37+s1+$0x0], $0xffff  }
0xd0: {  	v14 =	vmul.f32 $1.442695020e+00, v25;
	v44 =	vadd.s32 v23, v44;
	v43 =	vor.u32 v59, v43;
	v38 =	vld.idx.msk [tilespmem:v38+s1+$0x0], $0xffff  }
0xd1: {  	v6 =	vmul.f32 $1.442695020e+00, v6;
	v45 =	vadd.s32 v23, v45;
	v44 =	vor.u32 v60, v44;
	v39 =	vld.idx.msk [tilespmem:v39+s1+$0x0], $0xffff  }
0xd2: {  	v2 =	vmul.f32 $1.442695020e+00, v2;
	v1 =	vmul.f32 $1.442695020e+00, v1;
	v45 =	vor.u32 v61, v45;
	v40 =	vld.idx.msk [tilespmem:v40+s1+$0x0], $0xffff  }
0xd3: {  	(erf) = vpow2.f32 v7;
	v46 =	vadd.s32 v23, v46;
	v47 =	vadd.s32 v23, v47;
	v41 =	vld.idx.msk [tilespmem:v41+s1+$0x0], $0xffff  }
0xd4: {  	v4 =	vadd.f32 v26, v4;
	v46 =	vor.u32 v62, v46;
	v59 =	vand.u32 $0x7FFFFFF8, v50;
	v42 =	vld.idx.msk [tilespmem:v42+s1+$0x0], $0xffff  }
0xd5: {  	v47 =	vor.u32 v63, v47;
	v60 =	vand.u32 $0x7, v50;
	v48 =	vadd.s32 v23, v59;
	v43 =	vld.idx.msk [tilespmem:v43+s1+$0x0], $0xffff  }
0xd6: {  	(erf) = vpow2.f32 v20;
	v48 =	vor.u32 v60, v48;
	v56 =	vld.idx.msk [tilespmem:v44+s1+$0x0], $0xffff;
	[tilespmem:$0x1FC60] =	vst v14;
	v14 =	vadd.f32 $-1.000000000e+00, v4  }
0xd7: {  	v3 =	vsub.f32 v3, v17;
	(erf) = vpow2.f32 v31;
	v7 =	vld.idx.msk [tilespmem:v45+s1+$0x0], $0xffff;
	[tilespmem:$0x1FC70] =	vst v6;
	v6 =	vmul.f32 $1.442695020e+00, v30  }
0xd8: {  	v0 =	vmul.f32 $1.442695020e+00, v0;
	v25 =	vadd.s32 s23, v21;
	(erf) = vpow2.f32 v32;
	[tilespmem:$0x1FCD0] =	vst v14  }
0xd9: {  	(erf) = vpow2.f32 v5;
	v20 =	vadd.s32 s23, v13;
	v61 =	vmul.f32 $1.442695020e+00, v28;
	v4 =	vld.idx.msk [tilespmem:v46+s1+$0x0], $0xffff;
	[tilespmem:$0x1FC80] =	vst v6  }
0xda: {  	v26 =	vadd.s32 s23, v8;
	v62 =	vmul.f32 $1.442695020e+00, v27;
	v63 =	vmul.f32 $1.442695020e+00, v29;
	v6 =	vld.idx.msk [tilespmem:v47+s1+$0x0], $0xffff  }
0xdb: {  	v28 =	vmul.f32 $1.442695020e+00, v3;
	v27 =	vadd.s32 s23, v18;
	v3 =	vsub.f32 $0.0e+00, v14;
	v57 =	vld.idx.msk [tilespmem:v48+s1+$0x0], $0xffff  }
0xdc: {  	v52 =	vadd.s32 s23, v11;
	v18 =	vand.u32 $0xFF8, v22;
	v22 =	vand.u32 $0x7, v22  }
0xdd: {  	v18 =	vadd.s32 v23, v18;
	(erf) = vpow2.f32 v61;
	[tilespmem:$0x1FC90] =	vst v2;
	v2 =	vmul.f32 $1.442695020e+00, v3  }
0xde: {  	v3 =	vmax.f32 v33, v34;
	v5 =	vmax.f32 v35, v36;
	v30 =	vmax.f32 v37, v38  }
0xdf: {  	v15 =	vmovc v13;
	v13 =	vld [tilespmem:$0x1FF80];
	v31 =	vmax.f32 v39, v40;
	v58 =	vmax.f32 v41, v42;
	v44 =	vmax.f32 v43, v56  }
0xe0: {  	v3 =	vmax.f32 v3, v5;
	v45 =	vmax.f32 v7, v4;
	v59 =	vmax.f32 v6, v57  }
0xe1: {  	v32 =	vld [tilespmem:$0x1FFB0];
	v5 =	vmax.f32 v30, v31;
	v30 =	vmax.f32 v58, v44;
	v31 =	vmax.f32 v45, v59  }
0xe2: {  	(erf) = vpow2.f32 v62;
	v3 =	vmax.f32 v3, v5;
	v5 =	vmax.f32 v30, v31  }
0xe3: {  	v18 =	vor.u32 v22, v18;
	(erf) = vpow2.f32 v24;
	[tilespmem:$0x1FCA0] =	vst v1;
	v1 =	vmax.f32 v3, v5  }
0xe4: {  	v21 =	vadd.s32 s23, v13;
	[tilespmem:$0x1FCB0] =	vst v0;
	(erf) = vpow2.f32 v2;
	v0 =	vsub.f32 v33, v1  }
0xe5: {  	(erf) = vpow2.f32 v63;
	v5 =	vsub.f32 v34, v1;
	v60 =	vsub.f32 v35, v1  }
0xe6: {  	v59 =	vadd.s32 s23, v32;
	v36 =	vsub.f32 v36, v1;
	v37 =	vsub.f32 v37, v1  }
0xe7: {  	v3 =	vand.u32 $0xFF8, v21;
	v61 =	vsub.f32 v38, v1;
	v62 =	vsub.f32 v39, v1  }
0xe8: {  	v21 =	vand.u32 $0x7, v21;
	v40 =	vsub.f32 v40, v1;
	v41 =	vsub.f32 v41, v1  }
0xe9: {  	v42 =	vsub.f32 v42, v1;
	v0 =	vmul.f32 $1.442695020e+00, v0;
	v5 =	vmul.f32 $1.442695020e+00, v5  }
0xea: {  	v29 =	vmovc v8;
	v14 =	vmovc v12;
	v54 =	vsub.f32 v56, v1;
	v34 =	vmul.f32 $1.442695020e+00, v60;
	v63 =	vmul.f32 $1.442695020e+00, v61  }
0xeb: {  	v30 =	vpop (erf);
	v50 =	vsub.f32 v43, v1;
	v49 =	vmul.f32 $1.442695020e+00, v41;
	v51 =	vmul.f32 $1.442695020e+00, v42  }
0xec: {  	v33 =	vpop (erf);
	v7 =	vsub.f32 v7, v1;
	v55 =	vmul.f32 $1.442695020e+00, v54;
	(erf) = vpow2.f32 v0  }
0xed: {  	v4 =	vsub.f32 v4, v1;
	v35 =	vpop (erf);
	v0 =	vmul.f32 $1.442695020e+00, v36;
	(erf) = vpow2.f32 v5  }
0xee: {  	v6 =	vsub.f32 v6, v1;
	v44 =	vpop (erf);
	v5 =	vmul.f32 $1.442695020e+00, v37;
	(erf) = vpow2.f32 v34  }
0xef: {  	v31 =	vmov v16;
	v7 =	vmul.f32 $1.442695020e+00, v7;
	v45 =	vpop (erf);
	(erf) = vpow2.f32 v0  }
0xf0: {  	v11 =	vld [tilespmem:$0x1FF60];
	v56 =	vand.u32 $0xFF8, v26;
	v46 =	vpop (erf);
	v0 =	vmul.f32 $1.442695020e+00, v62;
	(erf) = vpow2.f32 v5  }
0xf1: {  	v3 =	vadd.s32 v23, v3;
	v47 =	vpop (erf);
	v5 =	vmul.f32 $1.442695020e+00, v40;
	(erf) = vpow2.f32 v63  }
0xf2: {  	v26 =	vand.u32 $0x7, v26;
	v4 =	vmul.f32 $1.442695020e+00, v4;
	v48 =	vpop (erf);
	(erf) = vpow2.f32 v0  }
0xf3: {  	v56 =	vadd.s32 v23, v56;
	v6 =	vmul.f32 $1.442695020e+00, v6;
	v24 =	vpop (erf);
	(erf) = vpow2.f32 v5  }
0xf4: {  	v21 =	vor.u32 v21, v3;
	v36 =	vpop (erf);
	v5 =	vmul.f32 $1.442695020e+00, v50;
	(erf) = vpow2.f32 v49  }
0xf5: {  	v54 =	vadd.s32 s23, v11;
	v60 =	vand.u32 $0xFF8, v27;
	v37 =	vpop (erf);
	(erf) = vpow2.f32 v51  }
0xf6: {  	v60 =	vadd.s32 v23, v60;
	v34 =	vadd.s32 s23, v9;
	v38 =	vpop (erf);
	(erf) = vpow2.f32 v5  }
0xf7: {  	v8 =	vld [tilespmem:$0x1FF50];
	v62 =	vand.u32 $0xFF8, v25;
	v5 =	vsub.f32 v57, v1;
	v39 =	vpop (erf);
	(erf) = vpow2.f32 v55  }
0xf8: {  	v0 =	vmov v19;
	v19 =	vadd.s32 s23, v12;
	v12 =	vld [tilespmem:$0x1FFA0];
	v40 =	vpop (erf);
	(erf) = vpow2.f32 v7  }
0xf9: {  	v49 =	vadd.s32 s23, v16;
	v16 =	vld [tilespmem:$0x1FF70];
	v5 =	vmul.f32 $1.442695020e+00, v5;
	v41 =	vpop (erf);
	(erf) = vpow2.f32 v4  }
0xfa: {  	v62 =	vadd.s32 v23, v62;
	v63 =	vand.u32 $0xFF8, v34;
	v43 =	vpop (erf);
	(erf) = vpow2.f32 v6  }
0xfb: {  	v63 =	vadd.s32 v23, v63;
	v42 =	vadd.s32 s23, v0;
	v50 =	vpop (erf);
	(erf) = vpow2.f32 v5  }
0xfc: {  	v9 =	vmov v0;
	v51 =	vadd.s32 s23, v8;
	v37 =	vadd.f32 v38, v37;
	v53 =	vpop (erf)  }
0xfd: {  	v38 =	vand.u32 $0xFF8, v51;
	v55 =	vadd.s32 s23, v12;
	v7 =	vand.u32 $0xFF8, v19;
	v57 =	vpop (erf)  }
0xfe: {  	v38 =	vadd.s32 v23, v38;
	v58 =	vadd.s32 s23, v16;
	v4 =	vand.u32 $0xFF8, v49;
	v61 =	vpop (erf)  }
0xff: {  	v39 =	vadd.f32 v40, v39;
	v7 =	vadd.s32 v23, v7;
	v6 =	vand.u32 $0xFF8, v20;
	v2 =	vpop (erf)  }
0x100: {  	[tilespmem:$0x1FDD0] =	vst v1;
	v4 =	vadd.s32 v23, v4;
	v5 =	vand.u32 $0xFF8, v42;
	v41 =	vadd.f32 v43, v41;
	v1 =	vpop (erf)  }
0x101: {  	v43 =	vand.u32 $0xFF8, v52;
	v37 =	vadd.f32 v39, v37;
	v39 =	vand.u32 $0xFF8, v59;
	v0 =	vpop (erf)  }
0x102: {  	v6 =	vadd.s32 v23, v6;
	v5 =	vadd.s32 v23, v5;
	v50 =	vadd.f32 v53, v50;
	v40 =	vpop (erf)  }
0x103: {  	v43 =	vadd.s32 v23, v43;
	v57 =	vadd.f32 v61, v57;
	v61 =	vand.u32 $0xFF8, v54;
	v53 =	vpop (erf)  }
0x104: {  	v41 =	vadd.f32 v50, v41;
	v61 =	vadd.s32 v23, v61;
	v1 =	vadd.f32 v1, v2;
	v2 =	vpop (erf)  }
0x105: {  	v0 =	vadd.f32 v40, v0;
	v40 =	vand.u32 $0xFF8, v55;
	v2 =	vadd.f32 v2, v53  }
0x106: {  	v1 =	vadd.f32 v1, v57;
	v40 =	vadd.s32 v23, v40;
	v53 =	vand.u32 $0xFF8, v58  }
0x107: {  	v3 =	vld [tilespmem:$0x1FC60];
	v53 =	vadd.s32 v23, v53;
	v0 =	vadd.f32 v2, v0;
	v2 =	vand.u32 $0x7, v27  }
0x108: {  	v27 =	vadd.s32 v23, v39;
	v23 =	vand.u32 $0x7, v25;
	v25 =	vor.u32 v26, v56  }
0x109: {  	v26 =	vadd.f32 v41, v37;
	v0 =	vadd.f32 v0, v1  }
0x10a: {  	v2 =	vor.u32 v2, v60  }
0x10b: {  	v56 =	vor.u32 v23, v62;
	v1 =	vand.u32 $0x7, v34;
	v23 =	vadd.f32 v0, v26  }
0x10c: {  	v19 =	vand.u32 $0x7, v19;
	(erf) = vpow2.f32 v3;
	v3 =	vld.idx.msk [tilespmem:v18+s1+$0x0], $0xffff;
	v1 =	vor.u32 v1, v63  }
0x10d: {  	v7 =	vor.u32 v19, v7;
	v19 =	vld.idx.msk [tilespmem:v25+s1+$0x0], $0xffff;
	v25 =	vand.u32 $0x7, v51;
	v22 =	vand.u32 $0x7FFFFF, v23  }
0x10e: {  	v0 =	vand.u32 $0x7, v42;
	v18 =	vor.u32 v25, v38;
	v25 =	vld [tilespmem:$0x1FC70];
	v22 =	vor.u32 $0x3F800000, v22  }
0x10f: {  	v0 =	vor.u32 v0, v5;
	v5 =	vadd.f32 $-1.000000000e+00, v22  }
0x110: {  	v37 =	vld.idx.msk [tilespmem:v2+s1+$0x0], $0xffff  }
0x111: {  	v2 =	vld.idx.msk [tilespmem:v1+s1+$0x0], $0xffff;
	v1 =	vmul.f32 $5.486285310e-02, v5;
	_ =	sdelay $0x1  }
0x112: {  	v22 =	vand.u32 $0x7, v52;
	(erf) = vpow2.f32 v25;
	v25 =	vld [tilespmem:$0x1FC80];
	v1 =	vsub.f32 $2.164104430e-01, v1  }
0x113: {  	v22 =	vor.u32 v22, v43;
	v43 =	vld.idx.msk [tilespmem:v0+s1+$0x0], $0xffff  }
0x114: {  	v0 =	vmul.f32 v1, v5;
	v1 =	vld [tilespmem:$0x1FC90];
	_ =	sdelay $0x2  }
0x115: {  	v26 =	vand.u32 $0x7, v49;
	(erf) = vpow2.f32 v25  }
0x116: {  	v4 =	vor.u32 v26, v4;
	(erf) = vpow2.f32 v28  }
0x117: {  	(erf) = vpow2.f32 v1;
	v1 =	vld [tilespmem:$0x1FCA0];
	_ =	sdelay $0x2  }
0x118: {  	v20 =	vand.u32 $0x7, v20;
	v41 =	vld.idx.msk [tilespmem:v7+s1+$0x0], $0xffff  }
0x119: {  	v6 =	vor.u32 v20, v6;
	v28 =	vld.idx.msk [tilespmem:v4+s1+$0x0], $0xffff  }
0x11a: {  	v7 =	vand.u32 $0x7, v59;
	(erf) = vpow2.f32 v1;
	v1 =	vld.idx.msk [tilespmem:v18+s1+$0x0], $0xffff  }
0x11b: {  	v4 =	vor.u32 v7, v27;
	v7 =	vadd.f32 $-4.640725850e-01, v0;
	v0 =	vld [tilespmem:$0x1FCB0];
	_ =	sdelay $0x1  }
0x11c: {  	v34 =	vld.idx.msk [tilespmem:v21+s1+$0x0], $0xffff  }
0x11d: {  	v42 =	vld.idx.msk [tilespmem:v6+s1+$0x0], $0xffff  }
0x11e: {  	v39 =	vld.idx.msk [tilespmem:v56+s1+$0x0], $0xffff;
	[tilespmem:$0x1FCF0] =	vst v1  }
0x11f: {  	(erf) = vpow2.f32 v0;
	v0 =	vld.idx.msk [tilespmem:v22+s1+$0x0], $0xffff  }
0x120: {  	v22 =	vld [tilespmem:$0x1FCC0];
	_ =	sdelay $0x1  }
0x121: {  	v57 =	vand.u32 $0x7, v54  }
0x122: {  	v25 =	vor.u32 v57, v61;
	_ =	sdelay $0x1  }
0x123: {  	v22 =	vmul.f32 v24, v22  }
0x124: {  	[tilespmem:$0x1FD00] =	vst v0  }
0x125: {  	[tilespmem:$0x1FCE0] =	vst v22  }
0x126: {  	v20 =	vand.u32 $0x7, v55;
	v21 =	vadd.f32 v33, v30;
	v30 =	vld.idx.msk [tilespmem:v25+s1+$0x0], $0xffff  }
0x127: {  	v6 =	vor.u32 v20, v40;
	_ =	sdelay $0x1  }
0x128: {  	s29 =	simm.s32 $0x4  }
0x129: {  	s25 =	sand.u32 $0xE, s29  }
0x12a: {  	s26 =	sor.u32 $0x1, s25;
	[tilespmem:$0x1FD10] =	vst v30  }
0x12b: {  	s31 =	sshll.u32 s26, $0x8;
	v26 =	vand.u32 $0x7, v58;
	v60 =	vld.idx.msk [tilespmem:v6+s1+$0x0], $0xffff  }
0x12c: {  	s28 =	sor.u32 $0x11, s31;
	v20 =	vor.u32 v26, v53  }
0x12d: {  	v40 =	vadd.s32 s28, v13;
	v49 =	vadd.s32 s28, v16  }
0x12e: {  	v26 =	vadd.f32 v44, v35;
	v38 =	vadd.s32 s28, v31;
	v31 =	vld [tilespmem:$0x1FF90];
	v7 =	vmul.f32 v7, v5  }
0x12f: {  	v44 =	vadd.s32 s28, v8;
	v18 =	vadd.f32 v46, v45;
	v22 =	vadd.f32 v48, v47;
	[tilespmem:$0x1FD60] =	vst v23  }
0x130: {  	v59 =	vand.u32 $0x7, v38;
	v38 =	vand.u32 $0x7FFFFFF8, v38;
	v7 =	vadd.f32 $9.954273100e-01, v7;
	[tilespmem:$0x1FD20] =	vst v60  }
0x131: {  	v24 =	vmovc v23;
	v18 =	vadd.f32 v22, v18;
	v22 =	vmax.f32 v39, v2;
	v6 =	vshra.s32 v23, $0x17;
	v23 =	vld.idx.msk [tilespmem:v20+s1+$0x0], $0xffff  }
0x132: {  	v21 =	vadd.f32 v26, v21;
	v52 =	vadd.s32 s28, v32;
	v26 =	vpop (erf);
	v5 =	vmul.f32 v7, v5  }
0x133: {  	v27 =	vpop (erf);
	v7 =	vadd.f32 v26, v36;
	v45 =	vadd.s32 s28, v31;
	v25 =	vmax.f32 v19, v37  }
0x134: {  	v46 =	vadd.s32 s28, v11;
	v5 =	vadd.f32 $1.415121810e-04, v5;
	v20 =	vmax.f32 v25, v22;
	v22 =	vpop (erf)  }
0x135: {  	v35 =	vand.u32 $0x7, v46;
	v46 =	vand.u32 $0x7FFFFFF8, v46;
	v22 =	vadd.f32 v22, v27  }
0x136: {  	v47 =	vadd.s32 s28, v12;
	v6 =	vadd.s32 $0xFFFFFF81, v6;
	v25 =	vmax.f32 v43, v42;
	[tilespmem:$0x1FD30] =	vst v23  }
0x137: {  	v7 =	vadd.f32 v22, v7;
	v22 =	vadd.s32 s28, v14;
	v61 =	vld.idx.msk [tilespmem:v4+s1+$0x0], $0xffff;
	v4 =	vcvt.s32.f32 v6  }
0x138: {  	v26 =	vpop (erf);
	v27 =	vmax.f32 v28, v34;
	v56 =	vand.u32 $0x7, v22;
	v6 =	vmax.f32 v3, v41  }
0x139: {  	v22 =	vand.u32 $0x7FFFFFF8, v22;
	v6 =	vmax.f32 v6, v25;
	v25 =	vpop (erf);
	v4 =	vmul.f32 $6.931471820e-01, v4  }
0x13a: {  	s30 =	simm.s32 $0x0;
	v6 =	vmax.f32 v20, v6;
	v25 =	vadd.f32 v25, v26;
	v26 =	vmax.f32 v1, v0  }
0x13b: {  	v20 =	vpop (erf);
	v0 =	vmov s30;
	v1 =	vand.u32 $0x7, v49;
	v49 =	vand.u32 $0x7FFFFFF8, v49  }
0x13c: {  	v62 =	vpop (erf);
	v26 =	vmax.f32 v27, v26;
	[tilespmem:$0x1FEE0] =	vst v0;
	v33 =	vmul.u32 $0x1080, v0;
	v0 =	vand.u32 $0x7, v47  }
0x13d: {  	v47 =	vand.u32 $0x7FFFFFF8, v47;
	v4 =	vadd.f32 v5, v4;
	v5 =	vadd.f32 v62, v20  }
0x13e: {  	v20 =	vmax.f32 v30, v60;
	v60 =	vand.u32 $0x7, v40;
	v40 =	vand.u32 $0x7FFFFFF8, v40  }
0x13f: {  	v63 =	vmax.f32 v23, v61;
	v23 =	vadd.f32 v18, v21;
	v21 =	vadd.s32 s28, v10  }
0x140: {  	[tilespmem:$0x1FD40] =	vst v61;
	v61 =	vand.u32 $0x7, v44;
	v22 =	vadd.s32 v33, v22;
	v38 =	vadd.s32 v33, v38  }
0x141: {  	v40 =	vadd.s32 v33, v40;
	v44 =	vand.u32 $0x7FFFFFF8, v44;
	v46 =	vadd.s32 v33, v46  }
0x142: {  	v47 =	vadd.s32 v33, v47;
	v20 =	vmax.f32 v20, v63;
	v27 =	vsub.f32 $0.0e+00, v4  }
0x143: {  	v5 =	vadd.f32 v5, v25;
	v25 =	vadd.s32 s28, v9;
	v55 =	vand.u32 $0x7, v21  }
0x144: {  	v9 =	vmovc v32;
	v32 =	vand.u32 $0x7, v45;
	v21 =	vand.u32 $0x7FFFFFF8, v21;
	v22 =	vor.u32 v56, v22  }
0x145: {  	v36 =	vld [tilespmem:$0x1FFD0];
	v38 =	vor.u32 v59, v38;
	v40 =	vor.u32 v60, v40;
	v44 =	vadd.s32 v33, v44  }
0x146: {  	v45 =	vand.u32 $0x7FFFFFF8, v45;
	v46 =	vor.u32 v35, v46;
	v0 =	vor.u32 v0, v47  }
0x147: {  	v59 =	vadd.s32 v33, v49;
	v20 =	vmax.f32 v26, v20;
	v57 =	vand.u32 $0x7, v25  }
0x148: {  	v30 =	vld [tilespmem:$0x1FF10];
	v21 =	vadd.s32 v33, v21;
	v25 =	vand.u32 $0x7FFFFFF8, v25;
	v45 =	vadd.s32 v33, v45  }
0x149: {  	v1 =	vor.u32 v1, v59;
	v18 =	vmax.f32 v6, v20;
	v6 =	vmul.f32 $1.442695020e+00, v27  }
0x14a: {  	v48 =	vadd.f32 v5, v7;
	v20 =	vadd.s32 s28, v36;
	v27 =	vadd.s32 s28, v15  }
0x14b: {  	v21 =	vor.u32 v55, v21;
	v25 =	vadd.s32 v33, v25;
	(erf) = vpow2.f32 v6  }
0x14c: {  	v26 =	vmovc v29;
	v45 =	vor.u32 v32, v45;
	v5 =	vsub.f32 v19, v18;
	v6 =	vadd.s32 s28, v29;
	v29 =	vld [tilespmem:$0x1FF00]  }
0x14d: {  	v19 =	vadd.s32 s28, v30;
	v54 =	vand.u32 $0x7, v20;
	v58 =	vand.u32 $0x7, v27;
	v22 =	vld.idx.msk [tilespmem:v22+s1+$0x0], $0xffff  }
0x14e: {  	v20 =	vand.u32 $0x7FFFFFF8, v20;
	v53 =	vand.u32 $0x7, v19;
	v19 =	vand.u32 $0x7FFFFFF8, v19;
	v49 =	vld.idx.msk [tilespmem:v40+s1+$0x0], $0xffff  }
0x14f: {  	v27 =	vand.u32 $0x7FFFFFF8, v27;
	v25 =	vor.u32 v57, v25;
	v19 =	vadd.s32 v33, v19;
	v0 =	vld.idx.msk [tilespmem:v0+s1+$0x0], $0xffff  }
0x150: {  	v20 =	vadd.s32 v33, v20;
	v27 =	vadd.s32 v33, v27;
	v19 =	vor.u32 v53, v19;
	v53 =	vld.idx.msk [tilespmem:v46+s1+$0x0], $0xffff  }
0x151: {  	v50 =	vand.u32 $0x7, v6;
	v6 =	vand.u32 $0x7FFFFFF8, v6;
	v20 =	vor.u32 v54, v20;
	v1 =	vld.idx.msk [tilespmem:v1+s1+$0x0], $0xffff  }
0x152: {  	v60 =	vand.u32 $0x7FFFFFF8, v52;
	v27 =	vor.u32 v58, v27;
	v6 =	vadd.s32 v33, v6;
	v21 =	vld.idx.msk [tilespmem:v21+s1+$0x0], $0xffff  }
0x153: {  	v44 =	vor.u32 v61, v44;
	v6 =	vor.u32 v50, v6;
	v50 =	vld.idx.msk [tilespmem:v38+s1+$0x0], $0xffff;
	v7 =	vadd.s32 s28, v29  }
0x154: {  	v61 =	vand.u32 $0x7, v52;
	v52 =	vld.idx.msk [tilespmem:v45+s1+$0x0], $0xffff;
	v51 =	vand.u32 $0x7, v7;
	v7 =	vand.u32 $0x7FFFFFF8, v7;
	v63 =	vpop (erf)  }
0x155: {  	v25 =	vld.idx.msk [tilespmem:v25+s1+$0x0], $0xffff;
	v7 =	vadd.s32 v33, v7;
	v32 =	vmul.f32 v63, v24  }
0x156: {  	v62 =	vadd.s32 v33, v60;
	v20 =	vld.idx.msk [tilespmem:v20+s1+$0x0], $0xffff;
	v7 =	vor.u32 v51, v7  }
0x157: {  	v37 =	vsub.f32 v37, v18;
	v38 =	vor.u32 v61, v62;
	v27 =	vld.idx.msk [tilespmem:v27+s1+$0x0], $0xffff;
	v4 =	vadd.f32 v32, v4  }
0x158: {  	v39 =	vsub.f32 v39, v18;
	v5 =	vmul.f32 $1.442695020e+00, v5;
	v19 =	vld.idx.msk [tilespmem:v19+s1+$0x0], $0xffff  }
0x159: {  	v2 =	vsub.f32 v2, v18;
	v37 =	vmul.f32 $1.442695020e+00, v37;
	v6 =	vld.idx.msk [tilespmem:v6+s1+$0x0], $0xffff;
	v24 =	vadd.f32 $-1.000000000e+00, v4  }
0x15a: {  	v3 =	vsub.f32 v3, v18;
	v39 =	vmul.f32 $1.442695020e+00, v39;
	(erf) = vpow2.f32 v5;
	v51 =	vld.idx.msk [tilespmem:v44+s1+$0x0], $0xffff  }
0x15b: {  	v41 =	vsub.f32 v41, v18;
	v2 =	vmul.f32 $1.442695020e+00, v2;
	(erf) = vpow2.f32 v37;
	v7 =	vld.idx.msk [tilespmem:v7+s1+$0x0], $0xffff;
	[tilespmem:$0x1FDA0] =	vst v24  }
0x15c: {  	v43 =	vsub.f32 v43, v18;
	v3 =	vmul.f32 $1.442695020e+00, v3;
	(erf) = vpow2.f32 v39;
	v4 =	vld.idx.msk [tilespmem:v38+s1+$0x0], $0xffff  }
0x15d: {  	v35 =	vsub.f32 v42, v18;
	v5 =	vsub.f32 v28, v18;
	(erf) = vpow2.f32 v2  }
0x15e: {  	v28 =	vmul.f32 $1.442695020e+00, v41;
	v46 =	vmax.f32 v53, v0;
	(erf) = vpow2.f32 v3  }
0x15f: {  	v56 =	vmax.f32 v21, v22;
	v58 =	vmax.f32 v50, v49;
	v57 =	vmax.f32 v25, v27  }
0x160: {  	v55 =	vmax.f32 v19, v20;
	v60 =	vmax.f32 v56, v57;
	v45 =	vmax.f32 v51, v52  }
0x161: {  	v61 =	vmax.f32 v58, v45;
	v54 =	vmax.f32 v6, v7;
	v59 =	vmax.f32 v1, v4  }
0x162: {  	v2 =	vsub.f32 $0.0e+00, v24;
	v39 =	vmax.f32 v54, v55;
	v62 =	vmax.f32 v46, v59  }
0x163: {  	v38 =	vmul.f32 $1.442695020e+00, v43;
	v3 =	vmax.f32 v39, v60;
	v63 =	vmax.f32 v61, v62  }
0x164: {  	v40 =	vmul.f32 $1.442695020e+00, v35;
	(erf) = vpow2.f32 v28;
	v35 =	vmax.f32 v3, v63  }
0x165: {  	v2 =	vmul.f32 $1.442695020e+00, v2;
	(erf) = vpow2.f32 v38;
	v3 =	vsub.f32 v6, v35  }
0x166: {  	v5 =	vmul.f32 $1.442695020e+00, v5;
	(erf) = vpow2.f32 v40  }
0x167: {  	(erf) = vpow2.f32 v2;
	v2 =	vmul.f32 $1.442695020e+00, v3  }
0x168: {  	v6 =	vsub.f32 v7, v35  }
0x169: {  	(erf) = vpow2.f32 v5;
	v7 =	vpop (erf)  }
0x16a: {  	[tilespmem:$0x1FD70] =	vst v7;
	v7 =	vpop (erf);
	v3 =	vsub.f32 v19, v35;
	v5 =	vmul.f32 $1.442695020e+00, v6;
	v6 =	vsub.f32 v20, v35  }
0x16b: {  	[tilespmem:$0x1FD80] =	vst v7;
	v7 =	vsub.f32 v21, v35;
	(erf) = vpow2.f32 v2;
	v2 =	vpop (erf)  }
0x16c: {  	v3 =	vmul.f32 $1.442695020e+00, v3;
	[tilespmem:$0x1FD90] =	vst v2;
	v2 =	vmul.f32 $1.442695020e+00, v6;
	v6 =	vsub.f32 v22, v35  }
0x16d: {  	(erf) = vpow2.f32 v5;
	v5 =	vmul.f32 $1.442695020e+00, v7  }
0x16e: {  	(erf) = vpow2.f32 v3;
	v42 =	vpop (erf);
	v3 =	vmul.f32 $1.442695020e+00, v6;
	v6 =	vsub.f32 v27, v35  }
0x16f: {  	v7 =	vsub.f32 v25, v35;
	v43 =	vpop (erf);
	(erf) = vpow2.f32 v2  }
0x170: {  	v44 =	vpop (erf);
	(erf) = vpow2.f32 v5;
	v5 =	vmul.f32 $1.442695020e+00, v6  }
0x171: {  	v2 =	vmul.f32 $1.442695020e+00, v7;
	v7 =	vsub.f32 v50, v35;
	v45 =	vpop (erf)  }
0x172: {  	v6 =	vsub.f32 v49, v35;
	(erf) = vpow2.f32 v3;
	v46 =	vpop (erf)  }
0x173: {  	v3 =	vmul.f32 $1.442695020e+00, v7;
	v7 =	vsub.f32 v51, v35;
	(erf) = vpow2.f32 v2;
	v47 =	vpop (erf)  }
0x174: {  	s29 =	sshll.u32 s25, $0x8;
	v2 =	vmul.f32 $1.442695020e+00, v6;
	(erf) = vpow2.f32 v5;
	v5 =	vpop (erf)  }
0x175: {  	s23 =	sor.u32 $0x11, s29;
	v6 =	vsub.f32 v52, v35;
	[tilespmem:$0x1FDB0] =	vst v5;
	v5 =	vmul.f32 $1.442695020e+00, v7;
	v7 =	vsub.f32 v53, v35  }
0x176: {  	v32 =	vadd.s32 s23, v36;
	v57 =	vadd.s32 s23, v11;
	(erf) = vpow2.f32 v3  }
0x177: {  	v58 =	vadd.s32 s23, v12;
	v3 =	vmul.f32 $1.442695020e+00, v6;
	v24 =	vpop (erf);
	(erf) = vpow2.f32 v2  }
0x178: {  	v54 =	vadd.s32 s23, v8;
	v0 =	vsub.f32 v0, v35;
	v19 =	vpop (erf);
	(erf) = vpow2.f32 v5;
	v5 =	vld [tilespmem:$0x1FCE0]  }
0x179: {  	v1 =	vsub.f32 v1, v35;
	v2 =	vmul.f32 $1.442695020e+00, v7;
	v7 =	vpop (erf);
	(erf) = vpow2.f32 v3;
	v3 =	vld [tilespmem:$0x1FCD0]  }
0x17a: {  	v41 =	vld [tilespmem:$0x1FFC0];
	v55 =	vadd.s32 s23, v31;
	v61 =	vadd.s32 s23, v16;
	v62 =	vadd.s32 s23, v9  }
0x17b: {  	v4 =	vsub.f32 v4, v35;
	v0 =	vmul.f32 $1.442695020e+00, v0;
	v1 =	vmul.f32 $1.442695020e+00, v1  }
0x17c: {  	v20 =	vmovc v18;
	v18 =	vadd.f32 v48, v23;
	v23 =	vadd.s32 s23, v26;
	v26 =	vadd.s32 s23, v29  }
0x17d: {  	v29 =	vadd.s32 s23, v30;
	v49 =	vadd.s32 s23, v15;
	v6 =	vpop (erf);
	(erf) = vpow2.f32 v2  }
0x17e: {  	v15 =	vld [tilespmem:$0x1FF40];
	v2 =	vmul.f32 $1.442695020e+00, v4;
	v50 =	vadd.f32 v5, v3;
	v5 =	vpop (erf);
	(erf) = vpow2.f32 v0  }
0x17f: {  	v30 =	vadd.s32 s23, v10;
	v48 =	vadd.s32 s23, v41;
	v21 =	vpop (erf);
	(erf) = vpow2.f32 v1  }
0x180: {  	v37 =	vsub.f32 v34, v20;
	v34 =	vadd.s32 s23, v14;
	v25 =	vpop (erf);
	(erf) = vpow2.f32 v2  }
0x181: {  	v59 =	vand.u32 $0xFF8, v23;
	v63 =	vand.u32 $0xFF8, v26;
	v23 =	vand.u32 $0x7, v23;
	v36 =	vpop (erf)  }
0x182: {  	v59 =	vadd.s32 v33, v59;
	v63 =	vadd.s32 v33, v63;
	v56 =	vand.u32 $0xFF8, v49;
	v52 =	vpop (erf)  }
0x183: {  	v23 =	vor.u32 v23, v59;
	v56 =	vadd.s32 v33, v56;
	v51 =	vadd.s32 s23, v15;
	v10 =	vpop (erf)  }
0x184: {  	v53 =	vadd.s32 s23, v13;
	v19 =	vadd.f32 v19, v24;
	v24 =	vand.u32 $0xFF8, v34;
	v11 =	vpop (erf)  }
0x185: {  	v34 =	vand.u32 $0x7, v34;
	v4 =	vand.u32 $0xFF8, v29;
	v6 =	vadd.f32 v6, v7;
	v1 =	vpop (erf)  }
0x186: {  	v24 =	vadd.s32 v33, v24;
	v29 =	vand.u32 $0x7, v29;
	v22 =	vadd.s32 v33, v4;
	v0 =	vpop (erf)  }
0x187: {  	v24 =	vor.u32 v34, v24;
	v22 =	vor.u32 v29, v22;
	v6 =	vadd.f32 v6, v19;
	v7 =	vpop (erf)  }
0x188: {  	v19 =	vand.u32 $0xFF8, v54;
	v5 =	vadd.f32 v21, v5;
	v25 =	vadd.f32 v36, v25;
	v40 =	vpop (erf)  }
0x189: {  	v3 =	vand.u32 $0xFF8, v30;
	v52 =	vadd.f32 v10, v52;
	v1 =	vadd.f32 v1, v11;
	v9 =	vpop (erf)  }
0x18a: {  	v19 =	vadd.s32 v33, v19;
	v0 =	vadd.f32 v7, v0;
	v36 =	vadd.f32 v9, v40  }
0x18b: {  	v30 =	vand.u32 $0x7, v30;
	v31 =	vadd.s32 v33, v3;
	v5 =	vadd.f32 v25, v5  }
0x18c: {  	v2 =	vand.u32 $0xFF8, v32;
	v1 =	vadd.f32 v1, v52;
	v0 =	vadd.f32 v36, v0  }
0x18d: {  	v21 =	vand.u32 $0xFF8, v48;
	v32 =	vand.u32 $0x7, v32;
	v30 =	vor.u32 v30, v31  }
0x18e: {  	v27 =	vadd.s32 v33, v2;
	v5 =	vadd.f32 v5, v6;
	v0 =	vadd.f32 v0, v1  }
0x18f: {  	v21 =	vadd.s32 v33, v21;
	v27 =	vor.u32 v32, v27;
	v10 =	vand.u32 $0xFF8, v53  }
0x190: {  	v25 =	vand.u32 $0xFF8, v55;
	v6 =	vand.u32 $0xFF8, v61;
	v52 =	vadd.f32 v0, v5  }
0x191: {  	v53 =	vand.u32 $0x7, v53;
	v11 =	vand.u32 $0xFF8, v57;
	v38 =	vadd.s32 v33, v6;
	v6 =	vld [tilespmem:$0x1FD30]  }
0x192: {  	v60 =	vadd.s32 v33, v10;
	v28 =	vadd.s32 v33, v11;
	v11 =	vand.u32 $0x7FFFFF, v52  }
0x193: {  	v25 =	vadd.s32 v33, v25;
	v7 =	vand.u32 $0xFF8, v51;
	v59 =	vor.u32 $0x3F800000, v11  }
0x194: {  	v51 =	vand.u32 $0x7, v51;
	v40 =	vand.u32 $0xFF8, v58;
	v59 =	vadd.f32 $-1.000000000e+00, v59  }
0x195: {  	v2 =	vld [tilespmem:$0x1FCF0];
	v7 =	vadd.s32 v33, v7;
	v9 =	vand.u32 $0xFF8, v62;
	v36 =	vadd.s32 v33, v40  }
0x196: {  	v40 =	vadd.s32 v33, v9;
	v33 =	vsub.f32 v6, v20;
	v6 =	vld [tilespmem:$0x1FD40];
	v29 =	vmul.f32 $5.486285310e-02, v59  }
0x197: {  	v48 =	vand.u32 $0x7, v48;
	v7 =	vor.u32 v51, v7;
	v51 =	vld.idx.msk [tilespmem:v27+s1+$0x0], $0xffff;
	v27 =	vor.u32 v53, v60  }
0x198: {  	v21 =	vor.u32 v48, v21;
	v29 =	vsub.f32 $2.164104430e-01, v29  }
0x199: {  	v49 =	vand.u32 $0x7, v49;
	v23 =	vld.idx.msk [tilespmem:v23+s1+$0x0], $0xffff;
	v32 =	vand.u32 $0x7, v54  }
0x19a: {  	v24 =	vld.idx.msk [tilespmem:v24+s1+$0x0], $0xffff;
	v10 =	vsub.f32 v2, v20;
	v5 =	vand.u32 $0x7, v26;
	v29 =	vmul.f32 v29, v59  }
0x19b: {  	v30 =	vld.idx.msk [tilespmem:v30+s1+$0x0], $0xffff;
	v9 =	vand.u32 $0x7, v58;
	v39 =	vsub.f32 v6, v20;
	v5 =	vor.u32 v5, v63  }
0x19c: {  	v58 =	vld.idx.msk [tilespmem:v27+s1+$0x0], $0xffff;
	v6 =	vmul.f32 $1.442695020e+00, v10;
	v10 =	vor.u32 v49, v56;
	v29 =	vadd.f32 $-4.640725850e-01, v29  }
0x19d: {  	v19 =	vor.u32 v32, v19;
	v21 =	vld.idx.msk [tilespmem:v21+s1+$0x0], $0xffff  }
0x19e: {  	v56 =	vld.idx.msk [tilespmem:v22+s1+$0x0], $0xffff;
	v22 =	vmul.f32 v29, v59  }
0x19f: {  	v1 =	vand.u32 $0x7FFFFF, v18;
	v49 =	vld.idx.msk [tilespmem:v7+s1+$0x0], $0xffff  }
0x1a0: {  	v1 =	vor.u32 $0x3F800000, v1;
	v63 =	vand.u32 $0x7, v55;
	v55 =	vld.idx.msk [tilespmem:v5+s1+$0x0], $0xffff;
	v22 =	vadd.f32 $9.954273100e-01, v22  }
0x1a1: {  	v31 =	vand.u32 $0x7, v57;
	v1 =	vadd.f32 $-1.000000000e+00, v1;
	v57 =	vld.idx.msk [tilespmem:v10+s1+$0x0], $0xffff;
	[tilespmem:$0x1FDE0] =	vst v58  }
0x1a2: {  	v22 =	vmul.f32 v22, v59;
	v59 =	vld.idx.msk [tilespmem:v19+s1+$0x0], $0xffff  }
0x1a3: {  	v0 =	vmul.f32 $5.486285310e-02, v1;
	v25 =	vor.u32 v63, v25;
	_ =	sdelay $0x1  }
0x1a4: {  	v0 =	vsub.f32 $2.164104430e-01, v0  }
0x1a5: {  	v4 =	vld [tilespmem:$0x1FD20]  }
0x1a6: {  	v3 =	vld [tilespmem:$0x1FD10];
	v0 =	vmul.f32 v0, v1;
	[tilespmem:$0x1FDF0] =	vst v59  }
0x1a7: {  	v60 =	vld.idx.msk [tilespmem:v25+s1+$0x0], $0xffff  }
0x1a8: {  	v2 =	vld [tilespmem:$0x1FD00];
	v31 =	vor.u32 v31, v28;
	v0 =	vadd.f32 $-4.640725850e-01, v0;
	_ =	sdelay $0x1  }
0x1a9: {  	v37 =	vmul.f32 $1.442695020e+00, v37;
	v0 =	vmul.f32 v0, v1  }
0x1aa: {  	v4 =	vsub.f32 v4, v20  }
0x1ab: {  	(erf) = vpow2.f32 v37;
	v3 =	vsub.f32 v3, v20;
	v0 =	vadd.f32 $9.954273100e-01, v0;
	[tilespmem:$0x1FE00] =	vst v60  }
0x1ac: {  	v2 =	vsub.f32 v2, v20;
	v11 =	vshra.s32 v52, $0x17;
	(erf) = vpow2.f32 v6;
	v6 =	vld.idx.msk [tilespmem:v31+s1+$0x0], $0xffff  }
0x1ad: {  	v36 =	vor.u32 v9, v36;
	v0 =	vmul.f32 v0, v1;
	v1 =	vadd.s32 $0xFFFFFF81, v11  }
0x1ae: {  	v2 =	vmul.f32 $1.442695020e+00, v2;
	v26 =	vshra.s32 v18, $0x17;
	v1 =	vcvt.s32.f32 v1  }
0x1af: {  	v4 =	vmul.f32 $1.442695020e+00, v4;
	v3 =	vmul.f32 $1.442695020e+00, v3;
	v26 =	vadd.s32 $0xFFFFFF81, v26  }
0x1b0: {  	(erf) = vpow2.f32 v2;
	v1 =	vmul.f32 $6.931471820e-01, v1;
	v7 =	vadd.f32 $1.415121810e-04, v22  }
0x1b1: {  	v26 =	vcvt.s32.f32 v26;
	(erf) = vpow2.f32 v3;
	[tilespmem:$0x1FE10] =	vst v6  }
0x1b2: {  	v5 =	vand.u32 $0x7, v61;
	v19 =	vadd.f32 v7, v1;
	v1 =	vmul.f32 $1.442695020e+00, v33;
	v7 =	vld.idx.msk [tilespmem:v36+s1+$0x0], $0xffff  }
0x1b3: {  	v3 =	vmul.f32 $1.442695020e+00, v39;
	(erf) = vpow2.f32 v4;
	v22 =	vor.u32 v5, v38  }
0x1b4: {  	v26 =	vmul.f32 $6.931471820e-01, v26;
	v0 =	vadd.f32 $1.415121810e-04, v0;
	(erf) = vpow2.f32 v1  }
0x1b5: {  	(erf) = vpow2.f32 v3;
	v3 =	vld [tilespmem:$0x1FD50]  }
0x1b6: {  	v48 =	vadd.f32 v0, v26  }
0x1b7: {  	[tilespmem:$0x1FE20] =	vst v7  }
0x1b8: {  	v29 =	vand.u32 $0x7, v62;
	v2 =	vsub.f32 $0.0e+00, v48;
	v25 =	vadd.f32 $-1.000000000e+00, v50;
	v5 =	vld.idx.msk [tilespmem:v22+s1+$0x0], $0xffff  }
0x1b9: {  	v0 =	vor.u32 v29, v40  }
0x1ba: {  	s24 =	simm.s32 $0x6;
	v14 =	vld [tilespmem:$0x1FFE0];
	v1 =	vmul.f32 $1.442695020e+00, v2;
	v3 =	vadd.f32 v25, v3  }
0x1bb: {  	s28 =	sand.u32 $0xE, s24  }
0x1bc: {  	s23 =	sor.u32 $0x1, s28;
	(erf) = vpow2.f32 v1;
	v1 =	vld [tilespmem:$0x1FD70];
	[tilespmem:$0x1FEF0] =	vst v3  }
0x1bd: {  	s29 =	simm.s32 $0x0;
	s30 =	sshll.u32 s23, $0x8;
	v4 =	vsub.f32 $0.0e+00, v19;
	v3 =	vld [tilespmem:$0x1FD80];
	[tilespmem:$0x1FE30] =	vst v5  }
0x1be: {  	v16 =	vmov s29;
	s29 =	sor.u32 $0x11, s30;
	v61 =	vld.idx.msk [tilespmem:v0+s1+$0x0], $0xffff  }
0x1bf: {  	v32 =	vadd.s32 s29, v14;
	v63 =	vmax.f32 v49, v58;
	v2 =	vmul.f32 $1.442695020e+00, v4  }
0x1c0: {  	v28 =	vld [tilespmem:$0x1FF90];
	v26 =	vadd.f32 v46, v45;
	v38 =	vadd.s32 s29, v41;
	v4 =	vmax.f32 v56, v51  }
0x1c1: {  	(erf) = vpow2.f32 v2;
	v2 =	vld [tilespmem:$0x1FD90];
	v33 =	vmax.f32 v59, v60;
	v31 =	vmax.f32 v21, v57  }
0x1c2: {  	v34 =	vmax.f32 v6, v7;
	v1 =	vadd.f32 v3, v1;
	v3 =	vmax.f32 v23, v55;
	v0 =	vld [tilespmem:$0x1FD60]  }
0x1c3: {  	v13 =	vmovc v12;
	v36 =	vld [tilespmem:$0x1FF80];
	v3 =	vmax.f32 v3, v4;
	v4 =	vmax.f32 v30, v24;
	v45 =	vmax.f32 v5, v61  }
0x1c4: {  	v25 =	vpop (erf);
	v37 =	vmax.f32 v63, v33;
	v4 =	vmax.f32 v4, v31;
	v5 =	vld [tilespmem:$0x1FDA0];
	v46 =	vmax.f32 v34, v45  }
0x1c5: {  	v58 =	vand.u32 $0x7, v38;
	v29 =	vpop (erf);
	v3 =	vmax.f32 v3, v4;
	v4 =	vmax.f32 v37, v46  }
0x1c6: {  	v38 =	vand.u32 $0x7FFFFFF8, v38;
	v62 =	vpop (erf);
	v2 =	vadd.f32 v42, v2;
	v34 =	vmax.f32 v3, v4  }
0x1c7: {  	v9 =	vpop (erf);
	v22 =	vadd.f32 v44, v43;
	v0 =	vmul.f32 v47, v0;
	v4 =	vsub.f32 v23, v34  }
0x1c8: {  	v8 =	vld [tilespmem:$0x1FFD0];
	v42 =	vadd.s32 s29, v36;
	v31 =	vpop (erf);
	v23 =	vsub.f32 v55, v34;
	v51 =	vsub.f32 v51, v34  }
0x1c9: {  	v44 =	vadd.s32 s29, v28;
	v47 =	vpop (erf);
	v24 =	vsub.f32 v24, v34;
	v7 =	vadd.f32 v0, v5;
	v0 =	vld [tilespmem:$0x1FDB0]  }
0x1ca: {  	v27 =	vld [tilespmem:$0x1FF20];
	v21 =	vsub.f32 v21, v34;
	v5 =	vadd.f32 v26, v22;
	v26 =	vpop (erf);
	v4 =	vmul.f32 $1.442695020e+00, v4  }
0x1cb: {  	[tilespmem:$0x1FE40] =	vst v61;
	v61 =	vand.u32 $0x7, v42;
	v22 =	vld [tilespmem:$0x1FF30];
	v3 =	vpop (erf);
	v23 =	vmul.f32 $1.442695020e+00, v23;
	v54 =	vmul.f32 $1.442695020e+00, v51  }
0x1cc: {  	v46 =	vadd.s32 s29, v13;
	v24 =	vmul.f32 $1.442695020e+00, v24;
	v21 =	vmul.f32 $1.442695020e+00, v21;
	v50 =	vpop (erf)  }
0x1cd: {  	v30 =	vsub.f32 v30, v34;
	v37 =	vmul.f32 v50, v52;
	(erf) = vpow2.f32 v4  }
0x1ce: {  	(erf) = vpow2.f32 v23;
	v40 =	vadd.f32 v25, v0;
	v25 =	vsub.f32 v56, v34  }
0x1cf: {  	v23 =	vmul.f32 $1.442695020e+00, v30;
	v30 =	vadd.s32 s29, v8;
	v19 =	vadd.f32 v37, v19  }
0x1d0: {  	v37 =	vadd.s32 s29, v27;
	v39 =	vadd.s32 s29, v22;
	v25 =	vmul.f32 $1.442695020e+00, v25  }
0x1d1: {  	v11 =	vld [tilespmem:$0x1FF10];
	v55 =	vand.u32 $0x7, v30;
	v56 =	vand.u32 $0x7, v32;
	v30 =	vand.u32 $0x7FFFFFF8, v30  }
0x1d2: {  	v32 =	vand.u32 $0x7FFFFFF8, v32;
	v12 =	vadd.f32 $-1.000000000e+00, v19;
	(erf) = vpow2.f32 v25  }
0x1d3: {  	v59 =	vand.u32 $0x7, v39;
	v19 =	vsub.f32 v57, v34;
	(erf) = vpow2.f32 v54  }
0x1d4: {  	v10 =	vld [tilespmem:$0x1FF00];
	v57 =	vand.u32 $0x7, v37;
	v25 =	vsub.f32 $0.0e+00, v12;
	(erf) = vpow2.f32 v23  }
0x1d5: {  	v4 =	vld [tilespmem:$0x1FFF0];
	v37 =	vand.u32 $0x7FFFFFF8, v37;
	v19 =	vmul.f32 $1.442695020e+00, v19;
	(erf) = vpow2.f32 v24  }
0x1d6: {  	v24 =	vmul.f32 $1.442695020e+00, v25;
	v25 =	vadd.f32 v26, v47;
	v26 =	vadd.s32 s29, v11  }
0x1d7: {  	(erf) = vpow2.f32 v21;
	v21 =	vadd.f32 v31, v9;
	v31 =	vmul.u32 $0x1080, v16  }
0x1d8: {  	v9 =	vmovc v41;
	v41 =	vadd.s32 s29, v15;
	v54 =	vand.u32 $0x7, v26;
	(erf) = vpow2.f32 v19  }
0x1d9: {  	v26 =	vand.u32 $0x7FFFFFF8, v26;
	(erf) = vpow2.f32 v24;
	v24 =	vadd.s32 s29, v10  }
0x1da: {  	v19 =	vadd.s32 s29, v4;
	v51 =	vand.u32 $0x7, v24;
	v24 =	vand.u32 $0x7FFFFFF8, v24  }
0x1db: {  	v60 =	vand.u32 $0x7, v41;
	v50 =	vand.u32 $0x7, v19;
	v24 =	vadd.s32 v31, v24  }
0x1dc: {  	v19 =	vand.u32 $0x7FFFFFF8, v19;
	v26 =	vadd.s32 v31, v26;
	v24 =	vor.u32 v51, v24  }
0x1dd: {  	v33 =	vld [tilespmem:$0x1FF50];
	v30 =	vadd.s32 v31, v30;
	v32 =	vadd.s32 v31, v32;
	v26 =	vor.u32 v54, v26  }
0x1de: {  	v13 =	vld [tilespmem:$0x1FFB0];
	v37 =	vadd.s32 v31, v37;
	v19 =	vadd.s32 v31, v19;
	v30 =	vor.u32 v55, v30  }
0x1df: {  	v0 =	vld [tilespmem:$0x1FF70];
	v32 =	vor.u32 v56, v32;
	v19 =	vor.u32 v50, v19;
	v51 =	vand.u32 $0x7FFFFFF8, v39  }
0x1e0: {  	v23 =	vmovc v15;
	v15 =	vld [tilespmem:$0x1FF60];
	v55 =	vadd.s32 v31, v38;
	v50 =	vor.u32 v57, v37;
	v54 =	vadd.s32 v31, v51  }
0x1e1: {  	v57 =	vld.idx.msk [tilespmem:v24+s1+$0x0], $0xffff;
	v24 =	vor.u32 v58, v55;
	v55 =	vand.u32 $0x7FFFFFF8, v41;
	v58 =	vand.u32 $0x7FFFFFF8, v42  }
0x1e2: {  	v51 =	vor.u32 v59, v54;
	v26 =	vld.idx.msk [tilespmem:v26+s1+$0x0], $0xffff;
	v56 =	vadd.s32 v31, v55;
	v38 =	vadd.s32 v31, v58  }
0x1e3: {  	v30 =	vld.idx.msk [tilespmem:v30+s1+$0x0], $0xffff;
	v42 =	vor.u32 v60, v56;
	v60 =	vpop (erf);
	v54 =	vor.u32 v61, v38;
	v61 =	vand.u32 $0x7FFFFFF8, v44  }
0x1e4: {  	v63 =	vand.u32 $0x7, v44;
	v19 =	vld.idx.msk [tilespmem:v19+s1+$0x0], $0xffff;
	[tilespmem:$0x1FE50] =	vst v60;
	v44 =	vpop (erf);
	v41 =	vadd.s32 v31, v61  }
0x1e5: {  	v29 =	vadd.f32 v62, v29;
	v43 =	vadd.s32 s29, v33;
	v32 =	vld.idx.msk [tilespmem:v32+s1+$0x0], $0xffff;
	[tilespmem:$0x1FE60] =	vst v44;
	v55 =	vpop (erf)  }
0x1e6: {  	v62 =	vand.u32 $0x7, v43;
	v47 =	vadd.s32 s29, v0;
	v59 =	vand.u32 $0x7FFFFFF8, v43;
	v58 =	vld.idx.msk [tilespmem:v50+s1+$0x0], $0xffff;
	[tilespmem:$0x1FE70] =	vst v55  }
0x1e7: {  	v45 =	vadd.s32 s29, v15;
	v39 =	vadd.s32 v31, v59;
	v59 =	vld.idx.msk [tilespmem:v24+s1+$0x0], $0xffff;
	v24 =	vor.u32 v63, v41;
	v41 =	vpop (erf)  }
0x1e8: {  	v0 =	vand.u32 $0x7, v45;
	v45 =	vand.u32 $0x7FFFFFF8, v45;
	v50 =	vor.u32 v62, v39;
	[tilespmem:$0x1FE80] =	vst v41  }
0x1e9: {  	v6 =	vadd.f32 v2, v1;
	v43 =	vadd.s32 v31, v45;
	v60 =	vld.idx.msk [tilespmem:v51+s1+$0x0], $0xffff;
	v51 =	vpop (erf)  }
0x1ea: {  	v1 =	vand.u32 $0x7, v46;
	v53 =	vadd.s32 s29, v13;
	v0 =	vor.u32 v0, v43;
	[tilespmem:$0x1FE90] =	vst v51;
	v51 =	vpop (erf)  }
0x1eb: {  	v29 =	vadd.f32 v29, v40;
	v21 =	vadd.f32 v25, v21;
	v43 =	vand.u32 $0x7FFFFFF8, v47;
	v61 =	vld.idx.msk [tilespmem:v42+s1+$0x0], $0xffff;
	[tilespmem:$0x1FEA0] =	vst v51;
	v25 =	vpop (erf)  }
0x1ec: {  	v2 =	vand.u32 $0x7, v47;
	v56 =	vand.u32 $0x7FFFFFF8, v46;
	v55 =	vadd.s32 v31, v43;
	v62 =	vld.idx.msk [tilespmem:v54+s1+$0x0], $0xffff;
	[tilespmem:$0x1FEB0] =	vst v25  }
0x1ed: {  	v44 =	vadd.s32 v31, v56;
	v56 =	vand.u32 $0x7FFFFFF8, v53;
	v2 =	vor.u32 v2, v55;
	v63 =	vld.idx.msk [tilespmem:v50+s1+$0x0], $0xffff  }
0x1ee: {  	v55 =	vadd.s32 v31, v56;
	v56 =	vsub.f32 v49, v34;
	v54 =	vand.u32 $0x7, v53;
	v49 =	vld.idx.msk [tilespmem:v24+s1+$0x0], $0xffff;
	[tilespmem:$0x1FDC0] =	vst v18  }
0x1ef: {  	v5 =	vadd.f32 v5, v6;
	v6 =	vadd.f32 v21, v29;
	v25 =	vor.u32 v54, v55;
	v29 =	vld.idx.msk [tilespmem:v0+s1+$0x0], $0xffff  }
0x1f0: {  	s31 =	sshll.u32 s28, $0x8;
	v3 =	vmul.f32 v3, v18;
	v1 =	vor.u32 v1, v44;
	v0 =	vld [tilespmem:$0x1FDD0]  }
0x1f1: {  	v7 =	vadd.f32 $-1.000000000e+00, v7;
	s29 =	sor.u32 $0x11, s31  }
0x1f2: {  	v37 =	vadd.s32 s29, v11;
	v45 =	vadd.s32 s29, v15;
	v15 =	vmovc v34;
	v47 =	vadd.f32 v3, v48  }
0x1f3: {  	v38 =	vadd.s32 s29, v27;
	v39 =	vadd.s32 s29, v9;
	v46 =	vpop (erf);
	v18 =	vadd.f32 v6, v5;
	v5 =	vld.idx.msk [tilespmem:v2+s1+$0x0], $0xffff  }
0x1f4: {  	v34 =	vadd.s32 s29, v13;
	v51 =	vadd.s32 s29, v8;
	v53 =	vadd.s32 s29, v22;
	v21 =	vpop (erf);
	v6 =	vld.idx.msk [tilespmem:v25+s1+$0x0], $0xffff  }
0x1f5: {  	v55 =	vadd.s32 s29, v10;
	v24 =	vadd.f32 v7, v0;
	v7 =	vmul.f32 v21, v52;
	v21 =	vld.idx.msk [tilespmem:v1+s1+$0x0], $0xffff  }
0x1f6: {  	v54 =	vadd.s32 s29, v23;
	v2 =	vand.u32 $0xFF8, v51;
	v0 =	vmul.f32 $1.442695020e+00, v56  }
0x1f7: {  	v27 =	vadd.s32 v31, v2;
	v11 =	vmax.f32 v61, v62;
	v25 =	vmax.f32 v59, v60  }
0x1f8: {  	v50 =	vmax.f32 v63, v49;
	v1 =	vmax.f32 v26, v30;
	(erf) = vpow2.f32 v0  }
0x1f9: {  	v48 =	vadd.f32 v7, v12;
	v0 =	vmax.f32 v19, v57;
	v7 =	vmax.f32 v32, v58  }
0x1fa: {  	v0 =	vmax.f32 v0, v1;
	v41 =	vmax.f32 v5, v6;
	v40 =	vmax.f32 v29, v21  }
0x1fb: {  	v1 =	vmax.f32 v7, v25;
	v7 =	vmax.f32 v11, v50;
	v25 =	vmax.f32 v40, v41  }
0x1fc: {  	v52 =	vadd.s32 s29, v14;
	v0 =	vmax.f32 v0, v1;
	v7 =	vmax.f32 v7, v25  }
0x1fd: {  	v56 =	vadd.s32 s29, v4;
	v3 =	vand.u32 $0xFF8, v52;
	v25 =	vmax.f32 v0, v7  }
0x1fe: {  	v50 =	vadd.s32 s29, v28;
	v28 =	vadd.s32 v31, v3;
	v7 =	vsub.f32 v19, v25  }
0x1ff: {  	v1 =	vand.u32 $0xFF8, v37;
	v42 =	vand.u32 $0xFF8, v50;
	v57 =	vsub.f32 v57, v25  }
0x200: {  	v50 =	vand.u32 $0x7, v50;
	v26 =	vsub.f32 v26, v25;
	v7 =	vmul.f32 $1.442695020e+00, v7  }
0x201: {  	v30 =	vsub.f32 v30, v25;
	v32 =	vsub.f32 v32, v25;
	v57 =	vmul.f32 $1.442695020e+00, v57  }
0x202: {  	v58 =	vsub.f32 v58, v25;
	v26 =	vmul.f32 $1.442695020e+00, v26;
	(erf) = vpow2.f32 v7  }
0x203: {  	v59 =	vsub.f32 v59, v25;
	v30 =	vmul.f32 $1.442695020e+00, v30;
	(erf) = vpow2.f32 v57  }
0x204: {  	v43 =	vsub.f32 v60, v25;
	v32 =	vmul.f32 $1.442695020e+00, v32;
	(erf) = vpow2.f32 v26  }
0x205: {  	v44 =	vsub.f32 v61, v25;
	v26 =	vmul.f32 $1.442695020e+00, v58;
	(erf) = vpow2.f32 v30  }
0x206: {  	v61 =	vsub.f32 v62, v25;
	v30 =	vmul.f32 $1.442695020e+00, v59;
	(erf) = vpow2.f32 v32  }
0x207: {  	v0 =	vand.u32 $0xFF8, v55;
	v60 =	vmul.f32 $1.442695020e+00, v43;
	(erf) = vpow2.f32 v26  }
0x208: {  	v62 =	vsub.f32 v63, v25;
	(erf) = vpow2.f32 v30;
	v30 =	vmul.f32 $1.442695020e+00, v61  }
0x209: {  	v63 =	vsub.f32 v49, v25;
	v29 =	vsub.f32 v29, v25;
	v26 =	vmul.f32 $1.442695020e+00, v44  }
0x20a: {  	v21 =	vsub.f32 v21, v25;
	v8 =	vmul.f32 $1.442695020e+00, v62;
	(erf) = vpow2.f32 v60  }
0x20b: {  	v6 =	vsub.f32 v6, v25;
	v49 =	vpop (erf);
	v29 =	vmul.f32 $1.442695020e+00, v29;
	(erf) = vpow2.f32 v26  }
0x20c: {  	v7 =	vadd.s32 v31, v0;
	v0 =	vld [tilespmem:$0x1FFA0];
	v26 =	vmul.f32 $1.442695020e+00, v63;
	(erf) = vpow2.f32 v30;
	v30 =	vpop (erf)  }
0x20d: {  	v5 =	vsub.f32 v5, v25;
	v21 =	vmul.f32 $1.442695020e+00, v21;
	(erf) = vpow2.f32 v8;
	v9 =	vpop (erf)  }
0x20e: {  	v40 =	vadd.s32 s29, v36;
	v6 =	vmul.f32 $1.442695020e+00, v6;
	(erf) = vpow2.f32 v26;
	v10 =	vpop (erf)  }
0x20f: {  	v41 =	vadd.s32 s29, v33;
	v5 =	vmul.f32 $1.442695020e+00, v5;
	(erf) = vpow2.f32 v29;
	v11 =	vpop (erf)  }
0x210: {  	v33 =	vadd.s32 v31, v1;
	v19 =	vand.u32 $0xFF8, v56;
	(erf) = vpow2.f32 v21;
	v36 =	vpop (erf)  }
0x211: {  	v19 =	vadd.s32 v31, v19;
	v32 =	vadd.s32 s29, v0;
	v0 =	vld [tilespmem:$0x1FF70];
	(erf) = vpow2.f32 v5;
	v43 =	vpop (erf)  }
0x212: {  	v62 =	vadd.s32 v31, v42;
	v57 =	vand.u32 $0xFF8, v38;
	(erf) = vpow2.f32 v6;
	v6 =	vpop (erf)  }
0x213: {  	v57 =	vadd.s32 v31, v57;
	v44 =	vand.u32 $0xFF8, v45;
	v60 =	vand.u32 $0xFF8, v40;
	v8 =	vpop (erf)  }
0x214: {  	v42 =	vadd.s32 v31, v44;
	v60 =	vadd.s32 v31, v60;
	v30 =	vadd.f32 v9, v30;
	v9 =	vpop (erf)  }
0x215: {  	v26 =	vand.u32 $0xFF8, v39;
	v5 =	vand.u32 $0xFF8, v41;
	v58 =	vadd.f32 v11, v10;
	v10 =	vpop (erf)  }
0x216: {  	v61 =	vadd.f32 v43, v36;
	v36 =	vadd.s32 v31, v5;
	v5 =	vadd.s32 s29, v0;
	v11 =	vpop (erf)  }
0x217: {  	v29 =	vand.u32 $0xFF8, v53;
	v26 =	vadd.s32 v31, v26;
	v1 =	vand.u32 $0xFF8, v5;
	v4 =	vpop (erf)  }
0x218: {  	v21 =	vand.u32 $0xFF8, v54;
	v0 =	vand.u32 $0xFF8, v32;
	v6 =	vadd.f32 v8, v6;
	v3 =	vpop (erf)  }
0x219: {  	v29 =	vadd.s32 v31, v29;
	v21 =	vadd.s32 v31, v21;
	v43 =	vadd.s32 v31, v0;
	v2 =	vpop (erf)  }
0x21a: {  	v44 =	vadd.s32 v31, v1;
	v59 =	vadd.f32 v10, v9;
	v6 =	vadd.f32 v6, v61;
	v61 =	vld [tilespmem:$0x1FE30];
	v1 =	vpop (erf)  }
0x21b: {  	v0 =	vand.u32 $0xFF8, v34;
	v4 =	vadd.f32 v4, v11;
	v2 =	vadd.f32 v2, v3;
	v3 =	vpop (erf)  }
0x21c: {  	v0 =	vadd.s32 v31, v0;
	v31 =	vand.u32 $0x7, v52;
	v1 =	vadd.f32 v3, v1  }
0x21d: {  	v5 =	vand.u32 $0x7, v5;
	v28 =	vor.u32 v31, v28;
	v4 =	vadd.f32 v4, v59  }
0x21e: {  	v3 =	vadd.f32 v58, v30;
	v30 =	vand.u32 $0x7, v56;
	v1 =	vadd.f32 v1, v2  }
0x21f: {  	v5 =	vor.u32 v5, v44;
	v63 =	vsub.f32 v61, v15;
	v19 =	vor.u32 v30, v19  }
0x220: {  	v30 =	vand.u32 $0x7, v55;
	v3 =	vadd.f32 v6, v3;
	v1 =	vadd.f32 v1, v4  }
0x221: {  	v55 =	vand.u32 $0x7, v40;
	v40 =	vshra.s32 v18, $0x17;
	v2 =	vor.u32 v30, v7  }
0x222: {  	v7 =	vand.u32 $0x7, v37;
	v4 =	vand.u32 $0x7FFFFF, v18;
	v31 =	vadd.f32 v1, v3;
	v1 =	vld [tilespmem:$0x1FDE0]  }
0x223: {  	v30 =	vand.u32 $0x7, v51;
	v6 =	vand.u32 $0x7, v38;
	v4 =	vor.u32 $0x3F800000, v4  }
0x224: {  	v27 =	vor.u32 v30, v27;
	v30 =	vand.u32 $0x7, v39;
	v4 =	vadd.f32 $-1.000000000e+00, v4  }
0x225: {  	v38 =	vor.u32 v55, v60;
	v39 =	vld [tilespmem:$0x1FDF0];
	v26 =	vor.u32 v30, v26;
	v3 =	vand.u32 $0x7, v53  }
0x226: {  	v30 =	vand.u32 $0x7, v54;
	v53 =	vld [tilespmem:$0x1FE00];
	v3 =	vor.u32 v3, v29;
	v29 =	vmul.f32 $5.486285310e-02, v4  }
0x227: {  	v56 =	vld [tilespmem:$0x1FE10];
	v21 =	vor.u32 v30, v21;
	v30 =	vand.u32 $0x7FFFFF, v31;
	v1 =	vsub.f32 v1, v15  }
0x228: {  	v60 =	vand.u32 $0x7, v41;
	v30 =	vor.u32 $0x3F800000, v30;
	v29 =	vsub.f32 $2.164104430e-01, v29  }
0x229: {  	v58 =	vld [tilespmem:$0x1FE20];
	v7 =	vor.u32 v7, v33;
	v30 =	vadd.f32 $-1.000000000e+00, v30;
	v1 =	vmul.f32 $1.442695020e+00, v1  }
0x22a: {  	v6 =	vor.u32 v6, v57;
	v52 =	vsub.f32 v39, v15;
	v29 =	vmul.f32 v29, v4  }
0x22b: {  	v61 =	vld [tilespmem:$0x1FEA0];
	v54 =	vsub.f32 v53, v15;
	(erf) = vpow2.f32 v1;
	v1 =	vmul.f32 $5.486285310e-02, v30  }
0x22c: {  	v41 =	vld [tilespmem:$0x1FE40];
	v36 =	vor.u32 v60, v36;
	v57 =	vsub.f32 v56, v15;
	v33 =	vmul.f32 $1.442695020e+00, v52  }
0x22d: {  	v5 =	vld.idx.msk [tilespmem:v5+s1+$0x0], $0xffff;
	v37 =	vmul.f32 $1.442695020e+00, v54;
	v29 =	vadd.f32 $-4.640725850e-01, v29;
	v1 =	vsub.f32 $2.164104430e-01, v1  }
0x22e: {  	v55 =	vld [tilespmem:$0x1FE50];
	v59 =	vsub.f32 v58, v15;
	(erf) = vpow2.f32 v33;
	v33 =	vmul.f32 $1.442695020e+00, v57  }
0x22f: {  	v60 =	vld [tilespmem:$0x1FE90];
	v52 =	vshra.s32 v31, $0x17;
	v29 =	vmul.f32 v29, v4;
	v1 =	vmul.f32 v1, v30  }
0x230: {  	v39 =	vld.idx.msk [tilespmem:v27+s1+$0x0], $0xffff;
	v27 =	vadd.s32 $0xFFFFFF81, v52;
	(erf) = vpow2.f32 v37;
	v37 =	vmul.f32 $1.442695020e+00, v59  }
0x231: {  	v56 =	vld [tilespmem:$0x1FE60];
	(erf) = vpow2.f32 v33;
	v29 =	vadd.f32 $9.954273100e-01, v29;
	v1 =	vadd.f32 $-4.640725850e-01, v1  }
0x232: {  	v58 =	vld [tilespmem:$0x1FE80];
	v33 =	vmul.f32 $1.442695020e+00, v63;
	(erf) = vpow2.f32 v37;
	v37 =	vadd.s32 $0xFFFFFF81, v40  }
0x233: {  	v2 =	vld.idx.msk [tilespmem:v2+s1+$0x0], $0xffff;
	v4 =	vmul.f32 v29, v4;
	v29 =	vsub.f32 v41, v15;
	v1 =	vmul.f32 v1, v30  }
0x234: {  	v40 =	vld.idx.msk [tilespmem:v19+s1+$0x0], $0xffff;
	v19 =	vor.u32 v50, v62;
	v37 =	vcvt.s32.f32 v37;
	(erf) = vpow2.f32 v33  }
0x235: {  	v33 =	vld.idx.msk [tilespmem:v28+s1+$0x0], $0xffff;
	v28 =	vcvt.s32.f32 v27;
	v29 =	vmul.f32 $1.442695020e+00, v29;
	v1 =	vadd.f32 $9.954273100e-01, v1  }
0x236: {  	v7 =	vld.idx.msk [tilespmem:v7+s1+$0x0], $0xffff;
	v27 =	vadd.f32 $-1.000000000e+00, v47;
	v37 =	vmul.f32 $6.931471820e-01, v37;
	v4 =	vadd.f32 $1.415121810e-04, v4  }
0x237: {  	v63 =	vld [tilespmem:$0x1FEB0];
	(erf) = vpow2.f32 v29;
	v1 =	vmul.f32 v1, v30;
	v30 =	vand.u32 $0x7, v45  }
0x238: {  	v29 =	vand.u32 $0x7, v32;
	v30 =	vor.u32 v30, v42;
	v42 =	vadd.f32 v4, v37;
	v4 =	vld.idx.msk [tilespmem:v6+s1+$0x0], $0xffff  }
0x239: {  	v29 =	vor.u32 v29, v43;
	v6 =	vld.idx.msk [tilespmem:v26+s1+$0x0], $0xffff;
	v26 =	vmul.f32 $6.931471820e-01, v28;
	v1 =	vadd.f32 $1.415121810e-04, v1  }
0x23a: {  	v32 =	vld.idx.msk [tilespmem:v21+s1+$0x0], $0xffff;
	v21 =	vsub.f32 $0.0e+00, v27  }
0x23b: {  	v3 =	vld.idx.msk [tilespmem:v3+s1+$0x0], $0xffff;
	v28 =	vadd.f32 $-1.000000000e+00, v48;
	v1 =	vadd.f32 v1, v26  }
0x23c: {  	v57 =	vld [tilespmem:$0x1FE70];
	v21 =	vmul.f32 $1.442695020e+00, v21;
	v26 =	vand.u32 $0x7, v34  }
0x23d: {  	v8 =	vadd.f32 v28, v35;
	v35 =	vld.idx.msk [tilespmem:v19+s1+$0x0], $0xffff;
	v0 =	vor.u32 v26, v0;
	v54 =	vsub.f32 $0.0e+00, v1  }
0x23e: {  	v9 =	vadd.f32 v46, v63;
	v37 =	vsub.f32 $0.0e+00, v42;
	v46 =	vld.idx.msk [tilespmem:v29+s1+$0x0], $0xffff  }
0x23f: {  	v53 =	vpop (erf);
	v45 =	vld.idx.msk [tilespmem:v30+s1+$0x0], $0xffff;
	v30 =	vmul.f32 $1.442695020e+00, v54  }
0x240: {  	v11 =	vmax.f32 v7, v39;
	v19 =	vpop (erf);
	v26 =	vld.idx.msk [tilespmem:v36+s1+$0x0], $0xffff;
	v37 =	vmul.f32 $1.442695020e+00, v37  }
0x241: {  	v62 =	vadd.f32 v61, v60;
	v59 =	vadd.f32 v58, v57;
	(erf) = vpow2.f32 v21;
	v34 =	vld.idx.msk [tilespmem:v38+s1+$0x0], $0xffff;
	v21 =	vpop (erf)  }
0x242: {  	v10 =	vmax.f32 v40, v2;
	v28 =	vadd.f32 v56, v55;
	v29 =	vpop (erf);
	(erf) = vpow2.f32 v37;
	v47 =	vld.idx.msk [tilespmem:v0+s1+$0x0], $0xffff  }
0x243: {  	v36 =	vadd.f32 v53, v49;
	v19 =	vadd.f32 v21, v19;
	(erf) = vpow2.f32 v30;
	v30 =	vpop (erf)  }
0x244: {  	v38 =	vadd.f32 v9, v62;
	v28 =	vadd.f32 v59, v28;
	v49 =	vld [tilespmem:$0x1FEC0];
	v37 =	vmax.f32 v10, v11;
	v0 =	vpop (erf)  }
0x245: {  	v19 =	vadd.f32 v19, v36;
	v44 =	vmax.f32 v26, v35;
	v21 =	vadd.f32 v30, v29;
	v29 =	vpop (erf)  }
0x246: {  	v30 =	vmax.f32 v33, v4;
	v0 =	vadd.f32 v29, v0;
	v29 =	vmax.f32 v6, v3  }
0x247: {  	v48 =	vmax.f32 v5, v47;
	v29 =	vmax.f32 v30, v29;
	v30 =	vmax.f32 v32, v34  }
0x248: {  	v0 =	vadd.f32 v0, v21;
	v21 =	vmax.f32 v30, v44;
	v30 =	vmax.f32 v45, v46  }
0x249: {  	v56 =	vld [tilespmem:$0x1FEE0];
	v28 =	vadd.f32 v38, v28;
	v50 =	vshll.u32 v49, $0x8;
	v36 =	vmax.f32 v30, v48  }
0x24a: {  	s20 =	sshll.u32 s20, $0x4;
	v0 =	vadd.f32 v0, v19;
	v19 =	vmax.f32 v37, v29;
	v21 =	vmax.f32 v21, v36  }
0x24b: {  	v29 =	vor.u32 s20, v50;
	v19 =	vmax.f32 v19, v21  }
0x24c: {  	v54 =	vld [tilespmem:$0x1FED0];
	v21 =	vbroadcast v29, $0x0;
	v29 =	vadd.f32 v0, v28;
	v52 =	vsub.f32 v40, v19  }
0x24d: {  	v11 =	vlaneseq.u32;
	v23 =	vpop (erf);
	v2 =	vsub.f32 v2, v19;
	v4 =	vsub.f32 v4, v19  }
0x24e: {  	s19 =	sshll.u32 s19, $0x4;
	v57 =	vshll.u32 v56, $0x8;
	v43 =	vpop (erf);
	v6 =	vsub.f32 v6, v19;
	v60 =	vsub.f32 v3, v19  }
0x24f: {  	v28 =	vor.u32 s19, v50;
	v32 =	vsub.f32 v32, v19;
	v34 =	vsub.f32 v34, v19;
	v0 =	vpop (erf)  }
0x250: {  	v26 =	vsub.f32 v26, v19;
	v35 =	vsub.f32 v35, v19;
	v0 =	vmul.f32 v0, v31  }
0x251: {  	s22 =	sshll.u32 s22, $0x4;
	v45 =	vsub.f32 v45, v19;
	v53 =	vor.u32 v11, v21;
	v21 =	vshll.u32 v54, $0x8  }
0x252: {  	v55 =	vadd.f32 v0, v1;
	v0 =	vor.u32 s22, v21;
	v1 =	vmul.f32 $1.442695020e+00, v52  }
0x253: {  	s30 =	sshll.u32 s26, $0x4;
	v46 =	vsub.f32 v46, v19;
	v14 =	vor.u32 v11, v28;
	v0 =	vbroadcast v0, $0x0  }
0x254: {  	v2 =	vmul.f32 $1.442695020e+00, v2;
	(erf) = vpow2.f32 v1;
	v1 =	vor.u32 s30, v57  }
0x255: {  	v61 =	vand.u32 $0x7FFFFF, v29;
	v58 =	vor.u32 v11, v0;
	v0 =	vbroadcast v1, $0x0  }
0x256: {  	v3 =	vmul.f32 $1.442695020e+00, v4;
	v4 =	vsub.f32 v5, v19;
	v41 =	vmul.f32 $1.442695020e+00, v34  }
0x257: {  	v37 =	vmul.f32 $1.442695020e+00, v35;
	v59 =	vor.u32 v11, v0;
	v0 =	vsub.f32 v33, v19  }
0x258: {  	v36 =	vmul.f32 $1.442695020e+00, v45;
	v35 =	vmul.f32 $1.442695020e+00, v46;
	v5 =	vor.u32 $0x3F800000, v61  }
0x259: {  	v38 =	vmul.f32 $1.442695020e+00, v4;
	v1 =	vsub.f32 v7, v19;
	v63 =	vmul.f32 $1.442695020e+00, v0  }
0x25a: {  	v0 =	vmul.f32 $1.442695020e+00, v32;
	v32 =	vadd.f32 $-1.000000000e+00, v5;
	v5 =	vshra.s32 v29, $0x17  }
0x25b: {  	s29 =	sshll.u32 s21, $0x4;
	v7 =	vsub.f32 v39, v19;
	(erf) = vpow2.f32 v2;
	v5 =	vadd.s32 $0xFFFFFF81, v5  }
0x25c: {  	v21 =	vor.u32 s29, v21;
	v62 =	vmul.f32 $1.442695020e+00, v1;
	v4 =	vcvt.s32.f32 v5;
	v5 =	vld [tilespmem:$0x1FEF0]  }
0x25d: {  	v51 =	vmovc v18;
	v18 =	vor.u32 v11, v21;
	v2 =	vmul.f32 $1.442695020e+00, v6;
	v7 =	vmul.f32 $1.442695020e+00, v7  }
0x25e: {  	v54 =	vadd.f32 $-1.000000000e+00, v55;
	(erf) = vpow2.f32 v62;
	v6 =	vmul.f32 $5.486285310e-02, v32  }
0x25f: {  	v39 =	vmul.f32 $1.442695020e+00, v26;
	(erf) = vpow2.f32 v7;
	v7 =	vsub.f32 v47, v19  }
0x260: {  	s31 =	sshll.u32 s25, $0x4;
	v1 =	vmul.f32 $1.442695020e+00, v60;
	[tilespmem:v58+s14+$0x0] =	vst.idx.msk $0xffff, v24;
	(erf) = vpow2.f32 v63;
	v6 =	vsub.f32 $2.164104430e-01, v6  }
0x261: {  	v40 =	vmul.f32 $1.442695020e+00, v7;
	v22 =	vmul.f32 $6.931471820e-01, v4;
	[tilespmem:v53+s14+$0x0] =	vst.idx.msk $0xffff, v5;
	v5 =	vor.u32 s31, v57  }
0x262: {  	s19 =	sshll.u32 s28, $0x4;
	[tilespmem:v59+s14+$0x0] =	vst.idx.msk $0xffff, v8;
	v4 =	vmul.f32 v6, v32;
	v21 =	vor.u32 v11, v5;
	v5 =	vsub.f32 $0.0e+00, v54  }
.LBB2_2:
0x263: {  	v34 =	vld [tilespmem:$0x1FFF0]  }
0x264: {  	[tilespmem:$0x1FC20] =	vst v19;
	v19 =	vld [tilespmem:$0x1FF00]  }
0x265: {  	[tilespmem:$0x1FC50] =	vst v21;
	v21 =	vld [tilespmem:$0x1FF10]  }
0x266: {  	v52 =	vld [tilespmem:$0x1FFE0]  }
0x267: {  	v26 =	vld [tilespmem:$0x1FF20]  }
0x268: {  	[tilespmem:$0x1FBC0] =	vst v27;
	v27 =	vld [tilespmem:$0x1FF30]  }
0x269: {  	v28 =	vld [tilespmem:$0x1FF40]  }
0x26a: {  	s24 =	sadd.s32 $0x2, s24;
	(erf) = vpow2.f32 v3;
	v3 =	vmul.f32 v43, v51;
	v46 =	vld [tilespmem:$0x1FF80]  }
0x26b: {  	v30 =	vld [tilespmem:$0x1FF50];
	s20 =	sand.u32 $0xE, s24;
	v5 =	vmul.f32 $1.442695020e+00, v5;
	(erf) = vpow2.f32 v2;
	v6 =	vadd.f32 $-4.640725850e-01, v4  }
0x26c: {  	s22 =	sshll.u32 s23, $0x4;
	v47 =	vld [tilespmem:$0x1FF90];
	s21 =	sshrl.u32 s24, $0x4;
	s23 =	sor.u32 $0x1, s20;
	(erf) = vpow2.f32 v1;
	v1 =	vadd.f32 v3, v42  }
0x26d: {  	v33 =	vld [tilespmem:$0x1FF60];
	v3 =	vmov s21;
	[tilespmem:$0x1FB70] =	vst v6;
	s25 =	sshll.u32 s23, $0x8;
	(erf) = vpow2.f32 v5  }
0x26e: {  	v44 =	vld [tilespmem:$0x1FF70];
	v53 =	vmul.u32 $0x1080, v3;
	v4 =	vshll.u32 v16, $0x8;
	[tilespmem:$0x1FB80] =	vst v1;
	s31 =	sor.u32 $0x11, s25;
	v2 =	vpop (erf);
	(erf) = vpow2.f32 v0  }
0x26f: {  	v1 =	vor.u32 s22, v4;
	[tilespmem:$0x1FB10] =	vst v2;
	v0 =	vadd.s32 s31, v34;
	v2 =	vadd.s32 s31, v19  }
0x270: {  	[tilespmem:$0x1FC00] =	vst v3;
	v3 =	vadd.s32 s31, v21;
	v5 =	vadd.s32 s31, v52;
	v6 =	vadd.s32 s31, v26  }
0x271: {  	[tilespmem:$0x1FC10] =	vst v4;
	v55 =	vadd.s32 s31, v27;
	v56 =	vadd.s32 s31, v28;
	v57 =	vadd.s32 s31, v46;
	v4 =	vpop (erf)  }
0x272: {  	[tilespmem:$0x1FBB0] =	vst v51;
	v58 =	vadd.s32 s31, v30;
	v59 =	vadd.s32 s31, v47;
	v60 =	vadd.s32 s31, v33;
	v7 =	vpop (erf)  }
0x273: {  	[tilespmem:$0x1FBE0] =	vst v20;
	v62 =	vadd.s32 s31, v44;
	v1 =	vbroadcast v1, $0x0;
	v63 =	vand.u32 $0x7, v0;
	v8 =	vpop (erf)  }
0x274: {  	[tilespmem:$0x1FBD0] =	vst v17;
	v51 =	vld [tilespmem:$0x1FFD0];
	v10 =	vand.u32 $0x7, v3;
	v12 =	vand.u32 $0x7, v5;
	v13 =	vand.u32 $0x7, v6;
	v48 =	vpop (erf)  }
0x275: {  	[tilespmem:$0x1FBF0] =	vst v15;
	v50 =	vld [tilespmem:$0x1FFC0];
	v15 =	vand.u32 $0x7, v55;
	v16 =	vand.u32 $0x7, v56;
	v17 =	vand.u32 $0x7, v57;
	v49 =	vpop (erf)  }
0x276: {  	[tilespmem:$0x1FBA0] =	vst v22;
	v20 =	vand.u32 $0x7, v59;
	v22 =	vand.u32 $0x7, v60;
	v24 =	vand.u32 $0x7, v62;
	v43 =	vpop (erf)  }
0x277: {  	v0 =	vand.u32 $0x7FFFFFF8, v0;
	v3 =	vand.u32 $0x7FFFFFF8, v3;
	v5 =	vand.u32 $0x7FFFFFF8, v5;
	v42 =	vpop (erf)  }
0x278: {  	v6 =	vand.u32 $0x7FFFFFF8, v6;
	v0 =	vadd.s32 v53, v0;
	v3 =	vadd.s32 v53, v3;
	[tilespmem:$0x1FB20] =	vst v4;
	v45 =	vpop (erf)  }
0x279: {  	v5 =	vadd.s32 v53, v5;
	v4 =	vadd.s32 s31, v51;
	[tilespmem:$0x1FB30] =	vst v7;
	v31 =	vmul.f32 v45, v31  }
0x27a: {  	v0 =	vor.u32 v63, v0;
	v3 =	vor.u32 v10, v3;
	v7 =	vadd.s32 s31, v50;
	[tilespmem:$0x1FB50] =	vst v48;
	v48 =	vld [tilespmem:$0x1FFA0]  }
0x27b: {  	v11 =	vand.u32 $0x7, v4;
	[tilespmem:$0x1FB60] =	vst v49;
	v49 =	vld [tilespmem:$0x1FFB0];
	v31 =	vadd.f32 v31, v54;
	v54 =	vlaneseq.u32  }
0x27c: {  	[tilespmem:$0x1FB40] =	vst v8;
	v8 =	vand.u32 $0x7, v2;
	v2 =	vand.u32 $0x7FFFFFF8, v2;
	v1 =	vor.u32 v54, v1  }
0x27d: {  	v4 =	vand.u32 $0x7FFFFFF8, v4;
	v2 =	vadd.s32 v53, v2;
	v31 =	vadd.f32 $-1.000000000e+00, v31  }
0x27e: {  	[tilespmem:$0x1FC30] =	vst v14;
	v14 =	vand.u32 $0x7, v7;
	v4 =	vadd.s32 v53, v4;
	v2 =	vor.u32 v8, v2  }
0x27f: {  	[tilespmem:$0x1FC40] =	vst v18;
	v4 =	vor.u32 v11, v4;
	v18 =	vpop (erf);
	v61 =	vadd.s32 s31, v48;
	v63 =	vadd.f32 v31, v25  }
0x280: {  	v45 =	vmovc v23;
	[tilespmem:$0x1FB90] =	vst v18;
	v18 =	vand.u32 $0x7, v58;
	v9 =	vadd.s32 s31, v49;
	v23 =	vand.u32 $0x7, v61  }
0x281: {  	[tilespmem:v1+s14+$0x0] =	vst.idx.msk $0xffff, v63;
	v1 =	vor.u32 v12, v5;
	v5 =	vadd.s32 v53, v6;
	v6 =	vand.u32 $0x7FFFFFF8, v7  }
0x282: {  	v7 =	vld.idx.msk [tilespmem:v0+s1+$0x0], $0xffff;
	v0 =	vor.u32 v13, v5;
	v5 =	vadd.s32 v53, v6;
	v6 =	vand.u32 $0x7FFFFFF8, v55  }
0x283: {  	v8 =	vld.idx.msk [tilespmem:v2+s1+$0x0], $0xffff;
	v2 =	vor.u32 v14, v5;
	v5 =	vadd.s32 v53, v6;
	v6 =	vand.u32 $0x7FFFFFF8, v56  }
0x284: {  	v10 =	vld.idx.msk [tilespmem:v3+s1+$0x0], $0xffff;
	v3 =	vor.u32 v15, v5;
	v5 =	vadd.s32 v53, v6;
	v6 =	vand.u32 $0x7FFFFFF8, v57  }
0x285: {  	v11 =	vld.idx.msk [tilespmem:v4+s1+$0x0], $0xffff;
	v4 =	vor.u32 v16, v5;
	v5 =	vadd.s32 v53, v6;
	v6 =	vand.u32 $0x7FFFFFF8, v58  }
0x286: {  	v12 =	vld.idx.msk [tilespmem:v1+s1+$0x0], $0xffff;
	v1 =	vor.u32 v17, v5;
	v5 =	vadd.s32 v53, v6;
	v6 =	vand.u32 $0x7FFFFFF8, v59  }
0x287: {  	v13 =	vld.idx.msk [tilespmem:v0+s1+$0x0], $0xffff;
	v0 =	vor.u32 v18, v5;
	v5 =	vadd.s32 v53, v6;
	v6 =	vand.u32 $0x7FFFFFF8, v60  }
0x288: {  	v14 =	vld.idx.msk [tilespmem:v2+s1+$0x0], $0xffff;
	v2 =	vor.u32 v20, v5;
	v5 =	vadd.s32 v53, v6;
	v6 =	vand.u32 $0x7FFFFFF8, v61  }
0x289: {  	v15 =	vld.idx.msk [tilespmem:v3+s1+$0x0], $0xffff;
	v3 =	vor.u32 v22, v5;
	v5 =	vadd.s32 v53, v6;
	v6 =	vand.u32 $0x7FFFFFF8, v62  }
0x28a: {  	v16 =	vld.idx.msk [tilespmem:v4+s1+$0x0], $0xffff;
	v4 =	vor.u32 v23, v5;
	v5 =	vadd.s32 v53, v6;
	v6 =	vand.u32 $0x7FFFFFF8, v9  }
0x28b: {  	v17 =	vld.idx.msk [tilespmem:v1+s1+$0x0], $0xffff;
	v5 =	vor.u32 v24, v5;
	v1 =	vand.u32 $0x7, v9;
	v6 =	vadd.s32 v53, v6  }
0x28c: {  	s30 =	sshll.u32 s20, $0x8;
	v9 =	vld.idx.msk [tilespmem:v0+s1+$0x0], $0xffff;
	v6 =	vor.u32 v1, v6  }
0x28d: {  	s21 =	sor.u32 $0x11, s30;
	v18 =	vld.idx.msk [tilespmem:v2+s1+$0x0], $0xffff  }
0x28e: {  	v54 =	vadd.s32 s21, v44;
	v20 =	vld.idx.msk [tilespmem:v3+s1+$0x0], $0xffff  }
0x28f: {  	v31 =	vadd.s32 s21, v49;
	v63 =	vadd.s32 s21, v50;
	v55 =	vadd.s32 s21, v48;
	v22 =	vld.idx.msk [tilespmem:v4+s1+$0x0], $0xffff  }
0x290: {  	v44 =	vand.u32 $0xFF8, v63;
	v56 =	vadd.s32 s21, v33;
	v57 =	vadd.s32 s21, v34;
	v23 =	vld.idx.msk [tilespmem:v5+s1+$0x0], $0xffff  }
0x291: {  	v58 =	vadd.s32 s21, v19;
	v59 =	vadd.s32 s21, v21;
	v60 =	vadd.s32 s21, v51;
	v24 =	vld.idx.msk [tilespmem:v6+s1+$0x0], $0xffff  }
0x292: {  	v25 =	vmax.f32 v7, v8;
	v33 =	vmax.f32 v10, v11;
	v61 =	vadd.s32 s21, v52  }
0x293: {  	v19 =	vand.u32 $0xFF8, v60;
	v25 =	vmax.f32 v25, v33;
	v62 =	vadd.s32 s21, v26  }
0x294: {  	v21 =	vand.u32 $0xFF8, v62;
	v0 =	vadd.s32 s21, v27;
	v48 =	vmax.f32 v12, v13  }
0x295: {  	v3 =	vadd.s32 s21, v30;
	v34 =	vmax.f32 v14, v15;
	v50 =	vmax.f32 v16, v17  }
0x296: {  	v51 =	vmax.f32 v9, v18;
	v30 =	vmax.f32 v20, v22;
	v52 =	vmax.f32 v23, v24  }
0x297: {  	v33 =	vmax.f32 v48, v34;
	v34 =	vmax.f32 v50, v51;
	v30 =	vmax.f32 v30, v52  }
0x298: {  	v1 =	vadd.s32 s21, v28;
	v25 =	vmax.f32 v25, v33;
	v30 =	vmax.f32 v34, v30  }
0x299: {  	v27 =	vand.u32 $0xFF8, v59;
	v28 =	vand.u32 $0xFF8, v61;
	v25 =	vmax.f32 v25, v30  }
0x29a: {  	v2 =	vadd.s32 s21, v46;
	v26 =	vand.u32 $0xFF8, v0;
	v7 =	vsub.f32 v7, v25  }
0x29b: {  	v46 =	vand.u32 $0xFF8, v1;
	v4 =	vadd.s32 s21, v47;
	v8 =	vsub.f32 v8, v25  }
0x29c: {  	v47 =	vand.u32 $0xFF8, v2;
	v10 =	vsub.f32 v10, v25;
	v34 =	vmul.f32 $1.442695020e+00, v7  }
0x29d: {  	v49 =	vand.u32 $0xFF8, v3;
	v11 =	vsub.f32 v11, v25;
	v8 =	vmul.f32 $1.442695020e+00, v8  }
0x29e: {  	v12 =	vsub.f32 v12, v25;
	v10 =	vmul.f32 $1.442695020e+00, v10;
	(erf) = vpow2.f32 v34  }
0x29f: {  	v13 =	vsub.f32 v13, v25;
	v11 =	vmul.f32 $1.442695020e+00, v11;
	(erf) = vpow2.f32 v8  }
0x2a0: {  	v52 =	vmul.f32 $1.442695020e+00, v12;
	v12 =	vsub.f32 v14, v25;
	(erf) = vpow2.f32 v10  }
0x2a1: {  	v10 =	vmul.f32 $1.442695020e+00, v13;
	v13 =	vsub.f32 v15, v25;
	(erf) = vpow2.f32 v11  }
0x2a2: {  	v34 =	vmul.f32 $1.442695020e+00, v12;
	v12 =	vsub.f32 v16, v25;
	(erf) = vpow2.f32 v52  }
0x2a3: {  	v52 =	vmul.f32 $1.442695020e+00, v13;
	v13 =	vsub.f32 v17, v25;
	(erf) = vpow2.f32 v10  }
0x2a4: {  	v9 =	vsub.f32 v9, v25;
	v10 =	vmul.f32 $1.442695020e+00, v12;
	(erf) = vpow2.f32 v34  }
0x2a5: {  	v12 =	vsub.f32 v18, v25;
	v34 =	vmul.f32 $1.442695020e+00, v13;
	(erf) = vpow2.f32 v52  }
0x2a6: {  	v8 =	vmul.f32 $1.442695020e+00, v9;
	v52 =	vsub.f32 v20, v25;
	(erf) = vpow2.f32 v10  }
0x2a7: {  	v10 =	vmul.f32 $1.442695020e+00, v12;
	v12 =	vsub.f32 v22, v25;
	v13 =	vpop (erf);
	(erf) = vpow2.f32 v34  }
0x2a8: {  	v9 =	vmul.f32 $1.442695020e+00, v52;
	v34 =	vsub.f32 v23, v25;
	v14 =	vpop (erf);
	(erf) = vpow2.f32 v8  }
0x2a9: {  	v52 =	vmul.f32 $1.442695020e+00, v12;
	v12 =	vsub.f32 v24, v25;
	v15 =	vpop (erf);
	(erf) = vpow2.f32 v10  }
0x2aa: {  	v48 =	vand.u32 $0xFF8, v56;
	v11 =	vmul.f32 $1.442695020e+00, v34;
	v16 =	vpop (erf);
	(erf) = vpow2.f32 v9  }
0x2ab: {  	v5 =	vand.u32 $0xFF8, v57;
	v12 =	vmul.f32 $1.442695020e+00, v12;
	v17 =	vpop (erf);
	(erf) = vpow2.f32 v52  }
0x2ac: {  	v30 =	vand.u32 $0xFF8, v55;
	v10 =	vadd.s32 v53, v19;
	v19 =	vpop (erf);
	(erf) = vpow2.f32 v11  }
0x2ad: {  	v6 =	vand.u32 $0xFF8, v58;
	v8 =	vadd.s32 v53, v21;
	v21 =	vpop (erf);
	(erf) = vpow2.f32 v12  }
0x2ae: {  	v33 =	vand.u32 $0xFF8, v4;
	v5 =	vadd.s32 v53, v5;
	v6 =	vadd.s32 v53, v6;
	v24 =	vpop (erf)  }
0x2af: {  	v50 =	vand.u32 $0xFF8, v54;
	v7 =	vadd.s32 v53, v27;
	v27 =	vadd.s32 v53, v30;
	v30 =	vpop (erf)  }
0x2b0: {  	v51 =	vand.u32 $0xFF8, v31;
	v18 =	vadd.s32 v53, v44;
	v12 =	vadd.s32 v53, v47;
	v47 =	vpop (erf)  }
0x2b1: {  	v20 =	vadd.s32 v53, v46;
	v46 =	vadd.s32 v53, v51;
	v22 =	vadd.s32 v53, v49;
	v34 =	vpop (erf)  }
0x2b2: {  	v49 =	vand.u32 $0x7, v60;
	v23 =	vadd.s32 v53, v33;
	v13 =	vadd.f32 v14, v13;
	v60 =	vpop (erf)  }
0x2b3: {  	v9 =	vadd.s32 v53, v28;
	v28 =	vadd.s32 v53, v50;
	v50 =	vand.u32 $0x7, v61;
	v61 =	vpop (erf)  }
0x2b4: {  	v52 =	vand.u32 $0x7, v62;
	v14 =	vadd.f32 v16, v15;
	v11 =	vadd.s32 v53, v26;
	v15 =	vpop (erf)  }
0x2b5: {  	v26 =	vadd.s32 v53, v48;
	v17 =	vadd.f32 v19, v17;
	v19 =	vadd.f32 v24, v21;
	v21 =	vpop (erf)  }
0x2b6: {  	v53 =	vand.u32 $0x7, v63;
	v30 =	vadd.f32 v47, v30;
	v62 =	vadd.f32 v60, v34;
	v63 =	vpop (erf)  }
0x2b7: {  	v15 =	vadd.f32 v15, v61;
	v21 =	vadd.f32 v63, v21  }
0x2b8: {  	v13 =	vadd.f32 v14, v13;
	v14 =	vadd.f32 v19, v17  }
0x2b9: {  	v17 =	vadd.f32 v62, v30;
	v15 =	vadd.f32 v21, v15;
	_ =	sdelay $0x1  }
0x2ba: {  	v13 =	vadd.f32 v14, v13;
	v14 =	vadd.f32 v15, v17;
	v17 =	vld [tilespmem:$0x1FB10]  }
0x2bb: {  	v15 =	vor.u32 v53, v18;
	v18 =	vld [tilespmem:$0x1FB20];
	_ =	sdelay $0x2  }
0x2bc: {  	v44 =	vand.u32 $0x7, v58  }
0x2bd: {  	v6 =	vor.u32 v44, v6;
	v19 =	vld [tilespmem:$0x1FB40]  }
0x2be: {  	v33 =	vand.u32 $0x7, v57;
	v17 =	vadd.f32 v18, v17;
	v18 =	vld [tilespmem:$0x1FB30]  }
0x2bf: {  	v1 =	vand.u32 $0x7, v1;
	v4 =	vand.u32 $0x7, v4;
	v5 =	vor.u32 v33, v5  }
0x2c0: {  	v1 =	vor.u32 v1, v20;
	v20 =	vld [tilespmem:$0x1FB60];
	v10 =	vor.u32 v49, v10;
	v48 =	vand.u32 $0x7, v59  }
0x2c1: {  	v0 =	vand.u32 $0x7, v0;
	v4 =	vor.u32 v4, v23;
	v23 =	vld [tilespmem:$0x1FB80];
	v7 =	vor.u32 v48, v7  }
0x2c2: {  	v2 =	vand.u32 $0x7, v2;
	v6 =	vld.idx.msk [tilespmem:v6+s1+$0x0], $0xffff;
	v34 =	vand.u32 $0x7, v31;
	v31 =	vadd.f32 v14, v13  }
0x2c3: {  	v3 =	vand.u32 $0x7, v3;
	(erf) = vpow2.f32 v41;
	v18 =	vadd.f32 v19, v18;
	v19 =	vld [tilespmem:$0x1FB50]  }
0x2c4: {  	v9 =	vor.u32 v50, v9;
	v5 =	vld.idx.msk [tilespmem:v5+s1+$0x0], $0xffff;
	(erf) = vpow2.f32 v39;
	v14 =	vand.u32 $0x7FFFFF, v31  }
0x2c5: {  	v8 =	vor.u32 v52, v8;
	v10 =	vld.idx.msk [tilespmem:v10+s1+$0x0], $0xffff;
	(erf) = vpow2.f32 v37;
	v14 =	vor.u32 $0x3F800000, v14  }
0x2c6: {  	v16 =	vand.u32 $0x7, v56;
	v0 =	vor.u32 v0, v11;
	v7 =	vld.idx.msk [tilespmem:v7+s1+$0x0], $0xffff;
	v14 =	vadd.f32 $-1.000000000e+00, v14  }
0x2c7: {  	v3 =	vor.u32 v3, v22;
	v52 =	vor.u32 v16, v26;
	v17 =	vadd.f32 v18, v17;
	v18 =	vld [tilespmem:$0x1FB70]  }
0x2c8: {  	v26 =	vld [tilespmem:$0x1FB90];
	(erf) = vpow2.f32 v36;
	v19 =	vadd.f32 v20, v19;
	v20 =	vmul.f32 $5.486285310e-02, v14  }
0x2c9: {  	v9 =	vld.idx.msk [tilespmem:v9+s1+$0x0], $0xffff;
	v22 =	vmax.f32 v5, v6;
	v21 =	vadd.f32 v42, v43;
	(erf) = vpow2.f32 v35  }
0x2ca: {  	v54 =	vand.u32 $0x7, v54;
	v8 =	vld.idx.msk [tilespmem:v8+s1+$0x0], $0xffff;
	(erf) = vpow2.f32 v38;
	v20 =	vsub.f32 $2.164104430e-01, v20  }
0x2cb: {  	v0 =	vld.idx.msk [tilespmem:v0+s1+$0x0], $0xffff;
	(erf) = vpow2.f32 v40;
	v19 =	vadd.f32 v21, v19;
	v21 =	vmax.f32 v7, v10  }
0x2cc: {  	v15 =	vld.idx.msk [tilespmem:v15+s1+$0x0], $0xffff;
	v18 =	vmul.f32 v18, v32;
	v21 =	vmax.f32 v22, v21;
	v22 =	vpop (erf);
	v20 =	vmul.f32 v20, v14  }
0x2cd: {  	v1 =	vld.idx.msk [tilespmem:v1+s1+$0x0], $0xffff;
	v2 =	vor.u32 v2, v12;
	v24 =	vand.u32 $0x7, v55;
	v22 =	vadd.f32 v22, v26;
	v26 =	vpop (erf)  }
0x2ce: {  	v3 =	vld.idx.msk [tilespmem:v3+s1+$0x0], $0xffff;
	v12 =	vor.u32 v24, v27;
	v18 =	vadd.f32 $9.954273100e-01, v18;
	v30 =	vpop (erf);
	v20 =	vadd.f32 $-4.640725850e-01, v20  }
0x2cf: {  	v16 =	vor.u32 v34, v46;
	v13 =	vor.u32 v54, v28;
	v26 =	vadd.f32 v30, v26;
	v30 =	vld [tilespmem:$0x1FBA0]  }
0x2d0: {  	v4 =	vld.idx.msk [tilespmem:v4+s1+$0x0], $0xffff;
	v54 =	vshra.s32 v31, $0x17;
	v18 =	vmul.f32 v18, v32;
	v20 =	vmul.f32 v20, v14  }
0x2d1: {  	v27 =	vld [tilespmem:$0x1FDC0];
	v53 =	vmax.f32 v15, v0;
	v17 =	vadd.f32 v19, v17;
	v19 =	vmax.f32 v9, v8  }
0x2d2: {  	v11 =	vld.idx.msk [tilespmem:v52+s1+$0x0], $0xffff;
	v19 =	vmax.f32 v19, v53;
	v28 =	vpop (erf);
	v18 =	vadd.f32 $1.415121810e-04, v18;
	v55 =	vadd.f32 $9.954273100e-01, v20  }
0x2d3: {  	v2 =	vld.idx.msk [tilespmem:v2+s1+$0x0], $0xffff;
	v19 =	vmax.f32 v21, v19;
	v21 =	vadd.s32 $0xFFFFFF81, v54;
	v56 =	vpop (erf)  }
0x2d4: {  	v12 =	vld.idx.msk [tilespmem:v12+s1+$0x0], $0xffff;
	v21 =	vcvt.s32.f32 v21;
	v42 =	vadd.f32 v18, v30;
	v30 =	vpop (erf);
	v14 =	vmul.f32 v55, v14  }
0x2d5: {  	v23 =	vadd.f32 $-1.000000000e+00, v23;
	v16 =	vld.idx.msk [tilespmem:v16+s1+$0x0], $0xffff;
	v20 =	vpop (erf)  }
0x2d6: {  	v21 =	vmul.f32 $6.931471820e-01, v21;
	v20 =	vadd.f32 v20, v30;
	v30 =	vld [tilespmem:$0x1FBB0];
	v14 =	vadd.f32 $1.415121810e-04, v14  }
0x2d7: {  	v13 =	vld.idx.msk [tilespmem:v13+s1+$0x0], $0xffff  }
0x2d8: {  	v24 =	vsub.f32 $0.0e+00, v23;
	v14 =	vadd.f32 v14, v21;
	v21 =	vld [tilespmem:$0x1FBC0]  }
0x2d9: {  	v27 =	vmul.f32 v45, v27;
	v28 =	vadd.f32 v56, v28  }
0x2da: {  	v24 =	vmul.f32 $1.442695020e+00, v24;
	v57 =	vmax.f32 v3, v4;
	v18 =	vmax.f32 v1, v2  }
0x2db: {  	v22 =	vadd.f32 v26, v22;
	v18 =	vmax.f32 v18, v57;
	v20 =	vadd.f32 v20, v28;
	v26 =	vmovc v30  }
0x2dc: {  	(erf) = vpow2.f32 v24;
	v24 =	vmax.f32 v13, v16;
	[tilespmem:$0x1FDC0] =	vst v26;
	v26 =	vmax.f32 v11, v12  }
0x2dd: {  	v20 =	vadd.f32 v20, v22;
	v21 =	vadd.f32 v27, v21;
	v27 =	vmovc v23;
	v23 =	vmax.f32 v26, v24  }
0x2de: {  	v63 =	vlaneseq.u32;
	v28 =	vsub.f32 $0.0e+00, v42;
	v18 =	vmax.f32 v18, v23  }
0x2df: {  	v51 =	vmovc v29;
	v29 =	vadd.f32 v20, v17;
	v23 =	vsub.f32 $0.0e+00, v14;
	v18 =	vmax.f32 v19, v18  }
0x2e0: {  	v22 =	vmul.f32 $1.442695020e+00, v28;
	v21 =	vadd.f32 $-1.000000000e+00, v21;
	v5 =	vsub.f32 v5, v18  }
0x2e1: {  	v6 =	vsub.f32 v6, v18;
	v17 =	vmul.f32 $1.442695020e+00, v23;
	v12 =	vsub.f32 v12, v18  }
0x2e2: {  	(erf) = vpow2.f32 v22;
	v7 =	vsub.f32 v7, v18;
	v10 =	vsub.f32 v10, v18  }
0x2e3: {  	v9 =	vsub.f32 v9, v18;
	(erf) = vpow2.f32 v17;
	v35 =	vmul.f32 $1.442695020e+00, v12;
	v12 =	vld [tilespmem:$0x1FBE0]  }
0x2e4: {  	v59 =	vshra.s32 v29, $0x17;
	v13 =	vsub.f32 v13, v18;
	v17 =	vsub.f32 v1, v18  }
0x2e5: {  	v19 =	vand.u32 $0x7FFFFF, v29;
	v8 =	vsub.f32 v8, v18;
	v15 =	vsub.f32 v15, v18  }
0x2e6: {  	v0 =	vsub.f32 v0, v18;
	v20 =	vsub.f32 v2, v18;
	v38 =	vmul.f32 $1.442695020e+00, v13;
	v13 =	vld [tilespmem:$0x1FC20]  }
0x2e7: {  	v22 =	vsub.f32 v3, v18;
	v5 =	vmul.f32 $1.442695020e+00, v5;
	v6 =	vmul.f32 $1.442695020e+00, v6  }
0x2e8: {  	v4 =	vsub.f32 v4, v18;
	v1 =	vmul.f32 $1.442695020e+00, v0;
	v0 =	vmul.f32 $1.442695020e+00, v17;
	v17 =	vmovc v12;
	v12 =	vld [tilespmem:$0x1FBF0]  }
0x2e9: {  	v60 =	vld [tilespmem:$0x1FBD0];
	v11 =	vsub.f32 v11, v18;
	v7 =	vmul.f32 $1.442695020e+00, v7;
	v10 =	vmul.f32 $1.442695020e+00, v10  }
0x2ea: {  	v61 =	vld [tilespmem:$0x1FC40];
	v16 =	vsub.f32 v16, v18;
	v23 =	vpop (erf);
	v9 =	vmul.f32 $1.442695020e+00, v9;
	v3 =	vmul.f32 $1.442695020e+00, v8  }
0x2eb: {  	v2 =	vmul.f32 $1.442695020e+00, v15;
	v41 =	vmul.f32 $1.442695020e+00, v20;
	v43 =	vpop (erf);
	v15 =	vmov v13;
	v13 =	vld [tilespmem:$0x1FC30]  }
0x2ec: {  	v62 =	vld [tilespmem:$0x1FC50];
	v58 =	vor.u32 $0x3F800000, v19;
	v39 =	vmul.f32 $1.442695020e+00, v22;
	v37 =	vmul.f32 $1.442695020e+00, v4;
	v4 =	vpop (erf)  }
0x2ed: {  	v32 =	vadd.f32 $-1.000000000e+00, v58;
	v36 =	vmul.f32 $1.442695020e+00, v11;
	v4 =	vmul.f32 v4, v31;
	v20 =	vmovc v12;
	v12 =	vld [tilespmem:$0x1FC10]  }
0x2ee: {  	p1 =	slt.u32 s24, $0x7E;
	v8 =	vadd.s32 $0xFFFFFF81, v59;
	v40 =	vmul.f32 $1.442695020e+00, v16;
	(erf) = vpow2.f32 v5  }
.Ltmp0:
0x2ef: {  	v5 =	vmul.f32 $5.486285310e-02, v32;
	(erf) = vpow2.f32 v6;
	v4 =	vadd.f32 v4, v14;
	(pc) =	sbr.rel @p1 .LBB2_2-.Ltmp0, $4  }
0x2f0: {  	v11 =	vadd.f32 v21, v60;
	v6 =	vcvt.s32.f32 v8;
	(erf) = vpow2.f32 v7  }
0x2f1: {  	v19 =	vmovc v18;
	(erf) = vpow2.f32 v10;
	v54 =	vadd.f32 $-1.000000000e+00, v4;
	v4 =	vsub.f32 $2.164104430e-01, v5  }
0x2f2: {  	s20 =	sshll.u32 s20, $0x4;
	v18 =	vmovc v62;
	v14 =	vmovc v61;
	v22 =	vmul.f32 $6.931471820e-01, v6;
	(erf) = vpow2.f32 v9;
	v12 =	vor.u32 s19, v12  }
0x2f3: {  	v16 =	vld [tilespmem:$0x1FC00];
	[tilespmem:v13+s14+$0x0] =	vst.idx.msk $0xffff, v11;
	s19 =	smov.u32 s20;
	v21 =	vor.u32 v63, v12;
	v5 =	vsub.f32 $0.0e+00, v54;
	v4 =	vmul.f32 v4, v32  }
0x2f4: {  	(erf) = vpow2.f32 v3  }
0x2f5: {  	v3 =	vmul.f32 $1.442695020e+00, v5;
	(erf) = vpow2.f32 v2  }
0x2f6: {  	(erf) = vpow2.f32 v1  }
0x2f7: {  	(erf) = vpow2.f32 v3  }
0x2f8: {  	v1 =	vpop (erf);
	(erf) = vpow2.f32 v0  }
0x2f9: {  	v0 =	vpop (erf);
	(erf) = vpow2.f32 v41  }
0x2fa: {  	v2 =	vpop (erf);
	(erf) = vpow2.f32 v39  }
0x2fb: {  	v3 =	vpop (erf);
	(erf) = vpow2.f32 v37  }
0x2fc: {  	v5 =	vpop (erf);
	(erf) = vpow2.f32 v36  }
0x2fd: {  	v6 =	vpop (erf);
	(erf) = vpow2.f32 v35  }
0x2fe: {  	v7 =	vpop (erf);
	(erf) = vpow2.f32 v38  }
0x2ff: {  	v8 =	vpop (erf);
	(erf) = vpow2.f32 v40  }
0x300: {  	v9 =	vpop (erf)  }
0x301: {  	v10 =	vpop (erf)  }
0x302: {  	v11 =	vpop (erf)  }
0x303: {  	v0 =	vadd.f32 v0, v1;
	v1 =	vadd.f32 v3, v2;
	v12 =	vpop (erf)  }
0x304: {  	v13 =	vpop (erf)  }
0x305: {  	v2 =	vpop (erf)  }
0x306: {  	v3 =	vadd.f32 $-4.640725850e-01, v4;
	v4 =	vadd.f32 v6, v5;
	v5 =	vpop (erf)  }
0x307: {  	v0 =	vadd.f32 v1, v0;
	v6 =	vadd.f32 v8, v7;
	v1 =	vpop (erf)  }
0x308: {  	v3 =	vmul.f32 v3, v32;
	v7 =	vadd.f32 v11, v10;
	v8 =	vadd.f32 v13, v12;
	v10 =	vpop (erf)  }
0x309: {  	v2 =	vadd.f32 v5, v2;
	v1 =	vadd.f32 v10, v1  }
0x30a: {  	v3 =	vadd.f32 $9.954273100e-01, v3;
	v4 =	vadd.f32 v6, v4  }
0x30b: {  	v5 =	vmul.f32 v43, v51;
	v6 =	vadd.f32 v8, v7;
	v1 =	vadd.f32 v1, v2  }
0x30c: {  	v3 =	vmul.f32 v3, v32;
	v0 =	vadd.f32 v4, v0  }
0x30d: {  	v2 =	vadd.f32 v5, v42;
	v1 =	vadd.f32 v1, v6  }
0x30e: {  	v3 =	vadd.f32 $1.415121810e-04, v3  }
0x30f: {  	v2 =	vadd.f32 $-1.000000000e+00, v2;
	v0 =	vadd.f32 v1, v0  }
0x310: {  	v1 =	vadd.f32 v3, v22  }
0x311: {  	v3 =	vsub.f32 $0.0e+00, v2;
	v4 =	vand.u32 $0x7FFFFF, v0  }
0x312: {  	v5 =	vsub.f32 $0.0e+00, v1;
	v4 =	vor.u32 $0x3F800000, v4  }
0x313: {  	v3 =	vmul.f32 $1.442695020e+00, v3;
	v4 =	vadd.f32 $-1.000000000e+00, v4  }
0x314: {  	v5 =	vmul.f32 $1.442695020e+00, v5  }
0x315: {  	(erf) = vpow2.f32 v3;
	v3 =	vmul.f32 $5.486285310e-02, v4  }
0x316: {  	(erf) = vpow2.f32 v5  }
0x317: {  	v3 =	vsub.f32 $2.164104430e-01, v3;
	_ =	sdelay $0x1  }
0x318: {  	v3 =	vmul.f32 v3, v4;
	_ =	sdelay $0x1  }
0x319: {  	v3 =	vadd.f32 $-4.640725850e-01, v3;
	_ =	sdelay $0x1  }
0x31a: {  	v3 =	vmul.f32 v3, v4  }
0x31b: {  	v5 =	vpop (erf)  }
0x31c: {  	v7 =	vshra.s32 v0, $0x17;
	v6 =	vpop (erf);
	v3 =	vadd.f32 $9.954273100e-01, v3  }
0x31d: {  	v7 =	vadd.s32 $0xFFFFFF81, v7;
	v6 =	vmul.f32 v6, v29  }
0x31e: {  	v7 =	vcvt.s32.f32 v7;
	v3 =	vmul.f32 v3, v4  }
0x31f: {  	v1 =	vadd.f32 v6, v1  }
0x320: {  	v4 =	vmul.f32 $6.931471820e-01, v7;
	v3 =	vadd.f32 $1.415121810e-04, v3  }
0x321: {  	v1 =	vadd.f32 $-1.000000000e+00, v1  }
0x322: {  	v3 =	vadd.f32 v3, v4  }
0x323: {  	v4 =	vsub.f32 $0.0e+00, v1  }
0x324: {  	v6 =	vsub.f32 $0.0e+00, v3  }
0x325: {  	v4 =	vmul.f32 $1.442695020e+00, v4  }
0x326: {  	v6 =	vmul.f32 $1.442695020e+00, v6  }
0x327: {  	(erf) = vpow2.f32 v4  }
0x328: {  	(erf) = vpow2.f32 v6;
	_ =	sdelay $0x7  }
0x329: {  	v4 =	vpop (erf)  }
0x32a: {  	v6 =	vpop (erf)  }
0x32b: {  	v6 =	vmul.f32 v6, v0;
	_ =	sdelay $0x1  }
0x32c: {  	v3 =	vadd.f32 v6, v3;
	_ =	sdelay $0x1  }
0x32d: {  	v3 =	vadd.f32 $-1.000000000e+00, v3;
	_ =	sdelay $0x1  }
0x32e: {  	v6 =	vsub.f32 $0.0e+00, v3;
	_ =	sdelay $0x1  }
0x32f: {  	v6 =	vmul.f32 $1.442695020e+00, v6;
	_ =	sdelay $0x1  }
0x330: {  	(erf) = vpow2.f32 v6;
	_ =	sdelay $0x3  }
0x331: {  	v5 =	vmul.f32 v5, v51;
	v6 =	vmul.f32 v9, v31;
	v9 =	vld [tilespmem:$0x1FDC0];
	_ =	sdelay $0x1  }
0x332: {  	v2 =	vadd.f32 v5, v2  }
0x333: {  	s20 =	sshll.u32 s23, $0x4;
	v7 =	vshll.u32 v16, $0x8;
	v4 =	vmul.f32 v4, v29  }
0x334: {  	v11 =	vlaneseq.u32;
	v2 =	vadd.f32 $-1.000000000e+00, v2;
	v8 =	vor.u32 s20, v7  }
0x335: {  	v8 =	vbroadcast v8, $0x0;
	v1 =	vadd.f32 v4, v1;
	v9 =	vmul.f32 v23, v9;
	v10 =	vpop (erf)  }
0x336: {  	v2 =	vadd.f32 v2, v20;
	v6 =	vadd.f32 v6, v54;
	v0 =	vmul.f32 v10, v0  }
0x337: {  	v8 =	vor.u32 v11, v8;
	v1 =	vadd.f32 $-1.000000000e+00, v1;
	v9 =	vadd.f32 v9, v27  }
0x338: {  	v4 =	vor.u32 s19, v7;
	v6 =	vadd.f32 $-1.000000000e+00, v6;
	v0 =	vadd.f32 v0, v3  }
0x339: {  	v4 =	vor.u32 v11, v4;
	v1 =	vadd.f32 v1, v15;
	v5 =	vadd.f32 $-1.000000000e+00, v9  }
0x33a: {  	[tilespmem:v18+s14+$0x0] =	vst.idx.msk $0xffff, v2;
	v6 =	vadd.f32 v6, v25;
	v0 =	vadd.f32 $-1.000000000e+00, v0  }
0x33b: {  	[tilespmem:v21+s14+$0x0] =	vst.idx.msk $0xffff, v1;
	v3 =	vadd.f32 v5, v17  }
0x33c: {  	[tilespmem:v8+s14+$0x0] =	vst.idx.msk $0xffff, v6;
	v0 =	vadd.f32 v0, v19  }
0x33d: {  	[tilespmem:v14+s14+$0x0] =	vst.idx.msk $0xffff, v3  }
0x33e: {  	[tilespmem:v4+s14+$0x0] =	vst.idx.msk $0xffff, v0  }
0x33f: {  	[hbm4b:s5+s15] =	stream.strided.scatter [tilespmem:s14], [sflag:$0x1], $0x800, s16, s15, $0x38;
	[tilespmem:$0x8C00] =	vst v63  }
0x340: {  	_ =	swait.ge [sflag:s17], $0x800  }
0x341: {  	v8 =	vld [tilespmem:$0x1FFF0]  }
0x342: {  	v2 =	vld [tilespmem:$0x1FF00]  }
0x343: {  	v3 =	vld [tilespmem:$0x1FF10]  }
0x344: {  	v9 =	vld [tilespmem:$0x1FFD0]  }
0x345: {  	v10 =	vld [tilespmem:$0x1FFE0]  }
0x346: {  	v5 =	vld [tilespmem:$0x1FF20]  }
0x347: {  	v19 =	vld [tilespmem:$0x1FFC0]  }
0x348: {  	v21 =	vld [tilespmem:$0x1FF30]  }
0x349: {  	v25 =	vld [tilespmem:$0x1FF40]  }
0x34a: {  	s18 =	sadd.s32 $0x1, s18;
	v16 =	vld [tilespmem:$0x1FF80]  }
0x34b: {  	p1 =	sne.s32 s18, s6;
	v11 =	vld [tilespmem:$0x1FF50]  }
.Ltmp1:
0x34c: {  	v12 =	vld [tilespmem:$0x1FF90];
	(pc) =	sbr.rel @p1 .LBB2_1-.Ltmp1, $4  }
0x34d: {  	v13 =	vld [tilespmem:$0x1FF60]  }
0x34e: {  	v14 =	vld [tilespmem:$0x1FFA0]  }
0x34f: {  	[sflag:s17] =	ssyncset.done $0x0;
	v15 =	vld [tilespmem:$0x1FF70]  }
0x350: {  	v28 =	vld [tilespmem:$0x1FFB0];
	[sflag:s17] =	ssyncadd.s32 $0xFFFFF800  }
0x351: {  	_ =	sfence.sel $0x180000  }
0x352: {  	[bflag:$0x0] =	sbarrier.arrive $0xFFFF  }
0x353: {  	p0 =	sne.s32 s2, $0x0;
	_ =	strace $0x90000047  }
0x354: {  	s0 =	sadd.s32 @!p0 $0x100000, s0;
	[bflag:$0x2] =	sbarrier.arrive $0xFFFF  }
0x355: {  	[sflag:s0] =	ssyncadd.tile.s32 @!p0 $0x1;
	_ =	shalt  }
.Lfunc_end2:
_tile_overlayer_lowered:
.L_overlay_start_2:
0x356: {  	(tag) =	ssettag $0x2  }
0x357: {  	s0 =	rddreg [dreg:$0x0];
	s2 =	stileid.u32  }
0x358: {  	s1 =	rddreg [dreg:$0x1];
	p0 =	sne.s32 s2, $0x0  }
0x359: {  	s3 =	rddreg [dreg:$0x2];
	[bflag:$0x3] =	sbarrier.arrive $0xFFFF;
	s2 =	simm.s32 @!p0 $0x1C01  }
0x35a: {  	[timem:s3], [sflag:s2] =	dma.local @!p0 [hbm:s0], s1  }
0x35b: {  	s0 =	simm.s32 @!p0 $0x1  }
0x35c: {  	_ =	swait.ge @!p0 [sflag:s0], s1  }
0x35d: {  	s1 =	ssub.s32 @!p0 $0x0, s1;
	[sflag:s0] =	ssyncset.done @!p0 $0x0  }
0x35e: {  	[sflag:s0] =	ssyncadd.s32 @!p0 s1  }
0x35f: {  	[bflag:$0x3] =	sbarrier.arrive $0xFFFF  }
0x360: {  	_ =	shalt  }

</sc_bundles>
